<compile_context>
chip_gen: v7x
topology: tpu7x:2x2x1
jax: 0.10.2.dev20260603
libtpu: 0.0.44.dev20260713+nightly
codegen_flags: <defaults>
</compile_context>

<pallas_src>
import jax
import jax.numpy as jnp
from jax import lax
from jax.experimental import pallas as pl
from jax.experimental.pallas import tpu as pltpu
from jax.experimental.pallas import tpu_sc as plsc

NUM_CLASSES = 100000
DIM = 128
BATCH = 16384

NC = 2
NS = 16
NW = NC * NS
B_PER_W = BATCH // NW
CHUNK = 128
N_CHUNKS = B_PER_W // CHUNK
NSETS = 3
BB = 2048
NSLOTS = 2


def _sc_gather_body(labels_hbm, t1_hbm, t2_hbm, stk_hbm,
                    idx_v, buf1, buf2, gsem, wsem):
    wid = lax.axis_index("s") * NC + lax.axis_index("c")
    pltpu.sync_copy(labels_hbm.at[pl.ds(wid * B_PER_W, B_PER_W)], idx_v)

    gd = [None] * N_CHUNKS
    wd = [None] * N_CHUNKS

    def issue_gather(c):
        s = c % NSETS
        idx_c = idx_v.at[pl.ds(c * CHUNK, CHUNK)]
        gd[c] = (pltpu.async_copy(t1_hbm.at[idx_c], buf1.at[s], gsem.at[s]),
                 pltpu.async_copy(t2_hbm.at[idx_c], buf2.at[s], gsem.at[s]))

    for c in range(min(NSETS, N_CHUNKS)):
        issue_gather(c)

    for c in range(N_CHUNKS):
        s = c % NSETS
        gd[c][0].wait()
        gd[c][1].wait()
        rows = pl.ds((wid * N_CHUNKS + c) * CHUNK, CHUNK)
        wd[c] = (
            pltpu.async_copy(buf1.at[s], stk_hbm.at[rows, 0], wsem.at[s]),
            pltpu.async_copy(buf2.at[s], stk_hbm.at[rows, 1], wsem.at[s]),
        )
        nxt = c + NSETS
        if nxt < N_CHUNKS:
            for d in wd[c]:
                d.wait()
            wd[c] = None
            issue_gather(nxt)

    for c in range(N_CHUNKS):
        if wd[c] is not None:
            for d in wd[c]:
                d.wait()


def _sc_gather(labels1d, table1, table2):
    mesh = plsc.VectorSubcoreMesh(
        core_axis_name="c", subcore_axis_name="s",
        num_cores=NC, num_subcores=NS)
    k = pl.kernel(
        _sc_gather_body,
        out_type=jax.ShapeDtypeStruct((BATCH, 2, DIM), jnp.float32),
        mesh=mesh,
        scratch_types=[
            pltpu.VMEM((B_PER_W,), jnp.int32),
            pltpu.VMEM((NSETS, CHUNK, DIM), jnp.float32),
            pltpu.VMEM((NSETS, CHUNK, DIM), jnp.float32),
            pltpu.SemaphoreType.DMA((NSETS,)),
            pltpu.SemaphoreType.DMA((NSETS,)),
        ],
    )
    return k(labels1d, table1, table2)


def _mlp_body(stk_ref, w1_ref, b1_ref, w2_ref, b2_ref, out_ref,
              e1b, e2b, sem1, sem2):
    i = pl.program_id(0)
    n = pl.num_programs(0)

    def copies(step, slot):
        rows = pl.ds(step * BB, BB)
        return (pltpu.make_async_copy(stk_ref.at[rows, 0], e1b.at[slot],
                                      sem1.at[slot]),
                pltpu.make_async_copy(stk_ref.at[rows, 1], e2b.at[slot],
                                      sem2.at[slot]))

    slot = lax.rem(i, NSLOTS)

    @pl.when(i == 0)
    def _():
        for p in range(NSLOTS - 1):
            for c in copies(i + p, lax.rem(i + p, NSLOTS)):
                c.start()

    @pl.when(i + NSLOTS - 1 < n)
    def _():
        for c in copies(i + NSLOTS - 1, lax.rem(i + NSLOTS - 1, NSLOTS)):
            c.start()

    for c in copies(i, slot):
        c.wait()

    e1 = e1b[slot]
    e2 = e2b[slot]
    w1a = w1_ref[:DIM, :]
    w1b = w1_ref[DIM:, :]
    h = (jnp.dot(e1, w1a, preferred_element_type=jnp.float32)
         + jnp.dot(e2, w1b, preferred_element_type=jnp.float32)
         + b1_ref[0, :][None, :])
    h = h * jax.nn.sigmoid(h)
    g = jnp.dot(h, w2_ref[...], preferred_element_type=jnp.float32)
    out_ref[...] = g + b2_ref[0, :][None, :]


def _mlp(stk, W1, b1, W2, b2):
    return pl.pallas_call(
        _mlp_body,
        grid=(BATCH // BB,),
        in_specs=[
            pl.BlockSpec(memory_space=pltpu.MemorySpace.HBM),
            pl.BlockSpec((2 * DIM, DIM), lambda i: (0, 0)),
            pl.BlockSpec((1, DIM), lambda i: (0, 0)),
            pl.BlockSpec((DIM, DIM), lambda i: (0, 0)),
            pl.BlockSpec((1, DIM), lambda i: (0, 0)),
        ],
        out_specs=pl.BlockSpec((BB, DIM), lambda i: (i, 0)),
        out_shape=jax.ShapeDtypeStruct((BATCH, DIM), jnp.float32),
        scratch_shapes=[
            pltpu.VMEM((NSLOTS, BB, DIM), jnp.float32),
            pltpu.VMEM((NSLOTS, BB, DIM), jnp.float32),
            pltpu.SemaphoreType.DMA((NSLOTS,)),
            pltpu.SemaphoreType.DMA((NSLOTS,)),
        ],
    )(stk, W1, b1, W2, b2)


def kernel(labels, train, table1, table2, W1, b1, W2, b2):
    labels1d = labels.astype(jnp.int32)
    embeddings = _sc_gather(labels1d, table1, table2)
    global_embeddings = _mlp(embeddings, W1, b1.reshape(1, DIM),
                             W2, b2.reshape(1, DIM))
    return (embeddings, global_embeddings)

# --- scband reference (transcript-rebuilt; emitter-appended) ---
"""Pipeline reference for scband-multi-token-label-embedder-30700426231809 (READ-ONLY COPY).

The authoritative reference and input builder live on the scoring server;
editing this copy changes nothing except your own understanding.
"""

import jax, jax.numpy as jnp
import numpy as np

NUM_CLASSES = 100000
DIM = 128
BATCH = 16384

def setup_inputs(seed: int = 0) -> dict:
    key = jax.random.key(seed)
    ks = jax.random.split(key, 8)
    labels = jax.random.randint(ks[0], (BATCH,), 0, NUM_CLASSES)
    # Embedding tables sized num_classes + 1 (cfg embedding row, since dropout_prob > 0)
    table1 = jax.random.normal(ks[1], (NUM_CLASSES + 1, DIM), dtype=jnp.float32) * 0.02
    table2 = jax.random.normal(ks[2], (NUM_CLASSES + 1, DIM), dtype=jnp.float32) * 0.02
    # MLP: Linear(2*dim -> dim), SiLU, Linear(dim -> dim)
    W1 = jax.random.normal(ks[3], (2 * DIM, DIM), dtype=jnp.float32) * (1.0 / np.sqrt(2 * DIM))
    b1 = jnp.zeros((DIM,), dtype=jnp.float32)
    W2 = jax.random.normal(ks[4], (DIM, DIM), dtype=jnp.float32) * (1.0 / np.sqrt(DIM))
    b2 = jnp.zeros((DIM,), dtype=jnp.float32)
    return {"labels": labels, "train": False, "table1": table1, "table2": table2,
            "W1": W1, "b1": b1, "W2": W2, "b2": b2}

def reference(labels, train, table1, table2, W1, b1, W2, b2):
    # train=False and force_drop_ids=None -> no token dropout path (deterministic)
    emb1 = jnp.take(table1, labels, axis=0)          # [B, DIM]
    emb2 = jnp.take(table2, labels, axis=0)          # [B, DIM]
    # einops.pack([emb1, emb2], 'b * d') on two [B, D] tensors -> [B, 2, D]
    embeddings = jnp.stack([emb1, emb2], axis=1)     # [B, 2, DIM]
    h = jnp.concatenate([emb1, emb2], axis=-1)       # [B, 2*DIM]
    h = h @ W1 + b1
    h = jax.nn.silu(h)
    global_embeddings = h @ W2 + b2                  # [B, DIM]
    return (embeddings, global_embeddings)

if __name__ == "__main__":
    import jax
    _d = setup_inputs()
    print(jax.jit(kernel)(*tuple(_d.values())))

</pallas_src>

<mosaic_0001>
#map = affine_map<(d0, d1) -> (0)>
#map1 = affine_map<(d0, d1) -> (0, 0)>
#map2 = affine_map<(d0, d1) -> (0, 0, 0)>
module attributes {stable_mosaic.version = 14 : i64} {
  func.func @_sc_gather_body(%arg0: i32, %arg1: i32, %arg2: memref<16384xi32, #tpu.memory_space<hbm>>, %arg3: memref<100001x128xf32, #tpu.memory_space<hbm>>, %arg4: memref<100001x128xf32, #tpu.memory_space<hbm>>, %arg5: memref<16384x2x128xf32, #tpu.memory_space<hbm>>, %arg6: memref<512xi32, #tpu.memory_space<vmem>>, %arg7: memref<3x128x128xf32, #tpu.memory_space<vmem>>, %arg8: memref<3x128x128xf32, #tpu.memory_space<vmem>>, %arg9: memref<3x!tpu.dma_semaphore, #tpu.memory_space<semaphore_mem>>, %arg10: memref<3x!tpu.dma_semaphore, #tpu.memory_space<semaphore_mem>>) attributes {dimension_semantics = [#tpu.dimension_semantics<core_parallel>, #tpu.dimension_semantics<subcore_parallel>], iteration_bounds = array<i64: 2, 16>, scalar_prefetch = 0 : i64, scratch_operands = 5 : i64, tpu.core_type = #tpu.core_type<sc_vector_subcore>, window_params = [{transform_indices = #map}, {transform_indices = #map1}, {transform_indices = #map1}, {transform_indices = #map2}]} {
    %mul3A = arith.constant 2 : i32
    %mul3A_0 = arith.muli %arg1, %mul3A : i32
    %add3A = arith.addi %mul3A_0, %arg0 : i32
    %mul3A_1 = arith.constant 512 : i32
    %mul3A_2 = arith.muli %add3A, %mul3A_1 : i32
    "tpu.region"() ({
      %run_scoped3A = tpu.sem_alloc : memref<!tpu.dma_semaphore, #tpu.memory_space<semaphore_mem>>
      %dma_start3A_537 = tpu.memref_slice %arg2[%mul3A_2] : memref<16384xi32, #tpu.memory_space<hbm>> -> memref<512xi32, #tpu.memory_space<hbm>>
      %dma_start3A_538 = tpu.memref_slice %arg2[%mul3A_2] : memref<16384xi32, #tpu.memory_space<hbm>> -> memref<512xi32, #tpu.memory_space<hbm>>
      tpu.enqueue_dma source(%dma_start3A_538 : memref<512xi32, #tpu.memory_space<hbm>>) target(%arg6 : memref<512xi32, #tpu.memory_space<vmem>>) target_semaphore(%run_scoped3A : memref<!tpu.dma_semaphore, #tpu.memory_space<semaphore_mem>>)
      %dma_wait3A_539 = tpu.memref_slice %arg2[%mul3A_2] : memref<16384xi32, #tpu.memory_space<hbm>> -> memref<512xi32, #tpu.memory_space<hbm>>
      %dma_wait3A_540 = tpu.memref_slice %arg2[%mul3A_2] : memref<16384xi32, #tpu.memory_space<hbm>> -> memref<512xi32, #tpu.memory_space<hbm>>
      tpu.wait_dma2 semaphore(%run_scoped3A : memref<!tpu.dma_semaphore, #tpu.memory_space<semaphore_mem>>) src(%dma_wait3A_540 : memref<512xi32, #tpu.memory_space<hbm>>) dst(%arg6 : memref<512xi32, #tpu.memory_space<vmem>>)
      tpu.yield
    }) : () -> ()
    %dma_start3A = arith.constant 0 : i32
    %dma_start3A_3 = arith.constant 0 : i32
    %dma_start3A_4 = arith.constant 0 : i32
    %dma_start3A_5 = arith.constant 0 : i32
    %dma_start3A_6 = tpu.memref_slice %arg7[%dma_start3A, %dma_start3A_4, %dma_start3A_5] : memref<3x128x128xf32, #tpu.memory_space<vmem>> -> memref<1x128x128xf32, #tpu.memory_space<vmem>>
    %dma_start3A_7 = tpu.memref_squeeze %dma_start3A_6 : memref<1x128x128xf32, #tpu.memory_space<vmem>> -> memref<128x128xf32, #tpu.memory_space<vmem>>
    %dma_start3A_8 = arith.constant 0 : i32
    %dma_start3A_9 = tpu.memref_slice %arg6[%dma_start3A_8] : memref<512xi32, #tpu.memory_space<vmem>> -> memref<128xi32, #tpu.memory_space<vmem>>
    %dma_start3A_10 = arith.constant 0 : i32
    %dma_start3A_11 = arith.constant 0 : i32
    %dma_start3A_12 = tpu.memref_slice %arg3[%dma_start3A_10, %dma_start3A_11] : memref<100001x128xf32, #tpu.memory_space<hbm>> -> memref<100001x128xf32, #tpu.memory_space<hbm>>
    %dma_start3A_13 = tpu.memref_slice %arg9[%dma_start3A_3] : memref<3x!tpu.dma_semaphore, #tpu.memory_space<semaphore_mem>> -> memref<1x!tpu.dma_semaphore, #tpu.memory_space<semaphore_mem>>
    %dma_start3A_14 = tpu.memref_squeeze %dma_start3A_13 : memref<1x!tpu.dma_semaphore, #tpu.memory_space<semaphore_mem>> -> memref<!tpu.dma_semaphore, #tpu.memory_space<semaphore_mem>>
    tpu.enqueue_indirect_dma source(%dma_start3A_12 : memref<100001x128xf32, #tpu.memory_space<hbm>>) target(%dma_start3A_7 : memref<128x128xf32, #tpu.memory_space<vmem>>) offsets(%dma_start3A_9 : memref<128xi32, #tpu.memory_space<vmem>>) semaphore(%dma_start3A_14 : memref<!tpu.dma_semaphore, #tpu.memory_space<semaphore_mem>>)
    %dma_start3A_15 = arith.constant 0 : i32
    %dma_start3A_16 = arith.constant 0 : i32
    %dma_start3A_17 = arith.constant 0 : i32
    %dma_start3A_18 = arith.constant 0 : i32
    %dma_start3A_19 = tpu.memref_slice %arg8[%dma_start3A_15, %dma_start3A_17, %dma_start3A_18] : memref<3x128x128xf32, #tpu.memory_space<vmem>> -> memref<1x128x128xf32, #tpu.memory_space<vmem>>
    %dma_start3A_20 = tpu.memref_squeeze %dma_start3A_19 : memref<1x128x128xf32, #tpu.memory_space<vmem>> -> memref<128x128xf32, #tpu.memory_space<vmem>>
    %dma_start3A_21 = arith.constant 0 : i32
    %dma_start3A_22 = tpu.memref_slice %arg6[%dma_start3A_21] : memref<512xi32, #tpu.memory_space<vmem>> -> memref<128xi32, #tpu.memory_space<vmem>>
    %dma_start3A_23 = arith.constant 0 : i32
    %dma_start3A_24 = arith.constant 0 : i32
    %dma_start3A_25 = tpu.memref_slice %arg4[%dma_start3A_23, %dma_start3A_24] : memref<100001x128xf32, #tpu.memory_space<hbm>> -> memref<100001x128xf32, #tpu.memory_space<hbm>>
    %dma_start3A_26 = tpu.memref_slice %arg9[%dma_start3A_16] : memref<3x!tpu.dma_semaphore, #tpu.memory_space<semaphore_mem>> -> memref<1x!tpu.dma_semaphore, #tpu.memory_space<semaphore_mem>>
    %dma_start3A_27 = tpu.memref_squeeze %dma_start3A_26 : memref<1x!tpu.dma_semaphore, #tpu.memory_space<semaphore_mem>> -> memref<!tpu.dma_semaphore, #tpu.memory_space<semaphore_mem>>
    tpu.enqueue_indirect_dma source(%dma_start3A_25 : memref<100001x128xf32, #tpu.memory_space<hbm>>) target(%dma_start3A_20 : memref<128x128xf32, #tpu.memory_space<vmem>>) offsets(%dma_start3A_22 : memref<128xi32, #tpu.memory_space<vmem>>) semaphore(%dma_start3A_27 : memref<!tpu.dma_semaphore, #tpu.memory_space<semaphore_mem>>)
    %dma_start3A_28 = arith.constant 1 : i32
    %dma_start3A_29 = arith.constant 1 : i32
    %dma_start3A_30 = arith.constant 0 : i32
    %dma_start3A_31 = arith.constant 0 : i32
    %dma_start3A_32 = tpu.memref_slice %arg7[%dma_start3A_28, %dma_start3A_30, %dma_start3A_31] : memref<3x128x128xf32, #tpu.memory_space<vmem>> -> memref<1x128x128xf32, #tpu.memory_space<vmem>>
    %dma_start3A_33 = tpu.memref_squeeze %dma_start3A_32 : memref<1x128x128xf32, #tpu.memory_space<vmem>> -> memref<128x128xf32, #tpu.memory_space<vmem>>
    %dma_start3A_34 = arith.constant 128 : i32
    %dma_start3A_35 = tpu.memref_slice %arg6[%dma_start3A_34] : memref<512xi32, #tpu.memory_space<vmem>> -> memref<128xi32, #tpu.memory_space<vmem>>
    %dma_start3A_36 = arith.constant 0 : i32
    %dma_start3A_37 = arith.constant 0 : i32
    %dma_start3A_38 = tpu.memref_slice %arg3[%dma_start3A_36, %dma_start3A_37] : memref<100001x128xf32, #tpu.memory_space<hbm>> -> memref<100001x128xf32, #tpu.memory_space<hbm>>
    %dma_start3A_39 = tpu.memref_slice %arg9[%dma_start3A_29] : memref<3x!tpu.dma_semaphore, #tpu.memory_space<semaphore_mem>> -> memref<1x!tpu.dma_semaphore, #tpu.memory_space<semaphore_mem>>
    %dma_start3A_40 = tpu.memref_squeeze %dma_start3A_39 : memref<1x!tpu.dma_semaphore, #tpu.memory_space<semaphore_mem>> -> memref<!tpu.dma_semaphore, #tpu.memory_space<semaphore_mem>>
    tpu.enqueue_indirect_dma source(%dma_start3A_38 : memref<100001x128xf32, #tpu.memory_space<hbm>>) target(%dma_start3A_33 : memref<128x128xf32, #tpu.memory_space<vmem>>) offsets(%dma_start3A_35 : memref<128xi32, #tpu.memory_space<vmem>>) semaphore(%dma_start3A_40 : memref<!tpu.dma_semaphore, #tpu.memory_space<semaphore_mem>>)
    %dma_start3A_41 = arith.constant 1 : i32
    %dma_start3A_42 = arith.constant 1 : i32
    %dma_start3A_43 = arith.constant 0 : i32
    %dma_start3A_44 = arith.constant 0 : i32
    %dma_start3A_45 = tpu.memref_slice %arg8[%dma_start3A_41, %dma_start3A_43, %dma_start3A_44] : memref<3x128x128xf32, #tpu.memory_space<vmem>> -> memref<1x128x128xf32, #tpu.memory_space<vmem>>
    %dma_start3A_46 = tpu.memref_squeeze %dma_start3A_45 : memref<1x128x128xf32, #tpu.memory_space<vmem>> -> memref<128x128xf32, #tpu.memory_space<vmem>>
    %dma_start3A_47 = arith.constant 128 : i32
    %dma_start3A_48 = tpu.memref_slice %arg6[%dma_start3A_47] : memref<512xi32, #tpu.memory_space<vmem>> -> memref<128xi32, #tpu.memory_space<vmem>>
    %dma_start3A_49 = arith.constant 0 : i32
    %dma_start3A_50 = arith.constant 0 : i32
    %dma_start3A_51 = tpu.memref_slice %arg4[%dma_start3A_49, %dma_start3A_50] : memref<100001x128xf32, #tpu.memory_space<hbm>> -> memref<100001x128xf32, #tpu.memory_space<hbm>>
    %dma_start3A_52 = tpu.memref_slice %arg9[%dma_start3A_42] : memref<3x!tpu.dma_semaphore, #tpu.memory_space<semaphore_mem>> -> memref<1x!tpu.dma_semaphore, #tpu.memory_space<semaphore_mem>>
    %dma_start3A_53 = tpu.memref_squeeze %dma_start3A_52 : memref<1x!tpu.dma_semaphore, #tpu.memory_space<semaphore_mem>> -> memref<!tpu.dma_semaphore, #tpu.memory_space<semaphore_mem>>
    tpu.enqueue_indirect_dma source(%dma_start3A_51 : memref<100001x128xf32, #tpu.memory_space<hbm>>) target(%dma_start3A_46 : memref<128x128xf32, #tpu.memory_space<vmem>>) offsets(%dma_start3A_48 : memref<128xi32, #tpu.memory_space<vmem>>) semaphore(%dma_start3A_53 : memref<!tpu.dma_semaphore, #tpu.memory_space<semaphore_mem>>)
    %dma_start3A_54 = arith.constant 2 : i32
    %dma_start3A_55 = arith.constant 2 : i32
    %dma_start3A_56 = arith.constant 0 : i32
    %dma_start3A_57 = arith.constant 0 : i32
    %dma_start3A_58 = tpu.memref_slice %arg7[%dma_start3A_54, %dma_start3A_56, %dma_start3A_57] : memref<3x128x128xf32, #tpu.memory_space<vmem>> -> memref<1x128x128xf32, #tpu.memory_space<vmem>>
    %dma_start3A_59 = tpu.memref_squeeze %dma_start3A_58 : memref<1x128x128xf32, #tpu.memory_space<vmem>> -> memref<128x128xf32, #tpu.memory_space<vmem>>
    %dma_start3A_60 = arith.constant 256 : i32
    %dma_start3A_61 = tpu.memref_slice %arg6[%dma_start3A_60] : memref<512xi32, #tpu.memory_space<vmem>> -> memref<128xi32, #tpu.memory_space<vmem>>
    %dma_start3A_62 = arith.constant 0 : i32
    %dma_start3A_63 = arith.constant 0 : i32
    %dma_start3A_64 = tpu.memref_slice %arg3[%dma_start3A_62, %dma_start3A_63] : memref<100001x128xf32, #tpu.memory_space<hbm>> -> memref<100001x128xf32, #tpu.memory_space<hbm>>
    %dma_start3A_65 = tpu.memref_slice %arg9[%dma_start3A_55] : memref<3x!tpu.dma_semaphore, #tpu.memory_space<semaphore_mem>> -> memref<1x!tpu.dma_semaphore, #tpu.memory_space<semaphore_mem>>
    %dma_start3A_66 = tpu.memref_squeeze %dma_start3A_65 : memref<1x!tpu.dma_semaphore, #tpu.memory_space<semaphore_mem>> -> memref<!tpu.dma_semaphore, #tpu.memory_space<semaphore_mem>>
    tpu.enqueue_indirect_dma source(%dma_start3A_64 : memref<100001x128xf32, #tpu.memory_space<hbm>>) target(%dma_start3A_59 : memref<128x128xf32, #tpu.memory_space<vmem>>) offsets(%dma_start3A_61 : memref<128xi32, #tpu.memory_space<vmem>>) semaphore(%dma_start3A_66 : memref<!tpu.dma_semaphore, #tpu.memory_space<semaphore_mem>>)
    %dma_start3A_67 = arith.constant 2 : i32
    %dma_start3A_68 = arith.constant 2 : i32
    %dma_start3A_69 = arith.constant 0 : i32
    %dma_start3A_70 = arith.constant 0 : i32
    %dma_start3A_71 = tpu.memref_slice %arg8[%dma_start3A_67, %dma_start3A_69, %dma_start3A_70] : memref<3x128x128xf32, #tpu.memory_space<vmem>> -> memref<1x128x128xf32, #tpu.memory_space<vmem>>
    %dma_start3A_72 = tpu.memref_squeeze %dma_start3A_71 : memref<1x128x128xf32, #tpu.memory_space<vmem>> -> memref<128x128xf32, #tpu.memory_space<vmem>>
    %dma_start3A_73 = arith.constant 256 : i32
    %dma_start3A_74 = tpu.memref_slice %arg6[%dma_start3A_73] : memref<512xi32, #tpu.memory_space<vmem>> -> memref<128xi32, #tpu.memory_space<vmem>>
    %dma_start3A_75 = arith.constant 0 : i32
    %dma_start3A_76 = arith.constant 0 : i32
    %dma_start3A_77 = tpu.memref_slice %arg4[%dma_start3A_75, %dma_start3A_76] : memref<100001x128xf32, #tpu.memory_space<hbm>> -> memref<100001x128xf32, #tpu.memory_space<hbm>>
    %dma_start3A_78 = tpu.memref_slice %arg9[%dma_start3A_68] : memref<3x!tpu.dma_semaphore, #tpu.memory_space<semaphore_mem>> -> memref<1x!tpu.dma_semaphore, #tpu.memory_space<semaphore_mem>>
    %dma_start3A_79 = tpu.memref_squeeze %dma_start3A_78 : memref<1x!tpu.dma_semaphore, #tpu.memory_space<semaphore_mem>> -> memref<!tpu.dma_semaphore, #tpu.memory_space<semaphore_mem>>
    tpu.enqueue_indirect_dma source(%dma_start3A_77 : memref<100001x128xf32, #tpu.memory_space<hbm>>) target(%dma_start3A_72 : memref<128x128xf32, #tpu.memory_space<vmem>>) offsets(%dma_start3A_74 : memref<128xi32, #tpu.memory_space<vmem>>) semaphore(%dma_start3A_79 : memref<!tpu.dma_semaphore, #tpu.memory_space<semaphore_mem>>)
    %dma_wait3A = arith.constant 0 : i32
    %dma_wait3A_80 = arith.constant 0 : i32
    %dma_wait3A_81 = arith.constant 0 : i32
    %dma_wait3A_82 = arith.constant 0 : i32
    %dma_wait3A_83 = tpu.memref_slice %arg7[%dma_wait3A, %dma_wait3A_81, %dma_wait3A_82] : memref<3x128x128xf32, #tpu.memory_space<vmem>> -> memref<1x128x128xf32, #tpu.memory_space<vmem>>
    %dma_wait3A_84 = tpu.memref_squeeze %dma_wait3A_83 : memref<1x128x128xf32, #tpu.memory_space<vmem>> -> memref<128x128xf32, #tpu.memory_space<vmem>>
    %dma_wait3A_85 = arith.constant 0 : i32
    %dma_wait3A_86 = tpu.memref_slice %arg6[%dma_wait3A_85] : memref<512xi32, #tpu.memory_space<vmem>> -> memref<128xi32, #tpu.memory_space<vmem>>
    %dma_wait3A_87 = arith.constant 0 : i32
    %dma_wait3A_88 = arith.constant 0 : i32
    %dma_wait3A_89 = tpu.memref_slice %arg3[%dma_wait3A_87, %dma_wait3A_88] : memref<100001x128xf32, #tpu.memory_space<hbm>> -> memref<100001x128xf32, #tpu.memory_space<hbm>>
    %dma_wait3A_90 = tpu.memref_slice %arg9[%dma_wait3A_80] : memref<3x!tpu.dma_semaphore, #tpu.memory_space<semaphore_mem>> -> memref<1x!tpu.dma_semaphore, #tpu.memory_space<semaphore_mem>>
    %dma_wait3A_91 = tpu.memref_squeeze %dma_wait3A_90 : memref<1x!tpu.dma_semaphore, #tpu.memory_space<semaphore_mem>> -> memref<!tpu.dma_semaphore, #tpu.memory_space<semaphore_mem>>
    tpu.wait_indirect_dma semaphore(%dma_wait3A_91 : memref<!tpu.dma_semaphore, #tpu.memory_space<semaphore_mem>>) src(%dma_wait3A_89 : memref<100001x128xf32, #tpu.memory_space<hbm>>) dst(%dma_wait3A_84 : memref<128x128xf32, #tpu.memory_space<vmem>>)
    %dma_wait3A_92 = arith.constant 0 : i32
    %dma_wait3A_93 = arith.constant 0 : i32
    %dma_wait3A_94 = arith.constant 0 : i32
    %dma_wait3A_95 = arith.constant 0 : i32
    %dma_wait3A_96 = tpu.memref_slice %arg8[%dma_wait3A_92, %dma_wait3A_94, %dma_wait3A_95] : memref<3x128x128xf32, #tpu.memory_space<vmem>> -> memref<1x128x128xf32, #tpu.memory_space<vmem>>
    %dma_wait3A_97 = tpu.memref_squeeze %dma_wait3A_96 : memref<1x128x128xf32, #tpu.memory_space<vmem>> -> memref<128x128xf32, #tpu.memory_space<vmem>>
    %dma_wait3A_98 = arith.constant 0 : i32
    %dma_wait3A_99 = tpu.memref_slice %arg6[%dma_wait3A_98] : memref<512xi32, #tpu.memory_space<vmem>> -> memref<128xi32, #tpu.memory_space<vmem>>
    %dma_wait3A_100 = arith.constant 0 : i32
    %dma_wait3A_101 = arith.constant 0 : i32
    %dma_wait3A_102 = tpu.memref_slice %arg4[%dma_wait3A_100, %dma_wait3A_101] : memref<100001x128xf32, #tpu.memory_space<hbm>> -> memref<100001x128xf32, #tpu.memory_space<hbm>>
    %dma_wait3A_103 = tpu.memref_slice %arg9[%dma_wait3A_93] : memref<3x!tpu.dma_semaphore, #tpu.memory_space<semaphore_mem>> -> memref<1x!tpu.dma_semaphore, #tpu.memory_space<semaphore_mem>>
    %dma_wait3A_104 = tpu.memref_squeeze %dma_wait3A_103 : memref<1x!tpu.dma_semaphore, #tpu.memory_space<semaphore_mem>> -> memref<!tpu.dma_semaphore, #tpu.memory_space<semaphore_mem>>
    tpu.wait_indirect_dma semaphore(%dma_wait3A_104 : memref<!tpu.dma_semaphore, #tpu.memory_space<semaphore_mem>>) src(%dma_wait3A_102 : memref<100001x128xf32, #tpu.memory_space<hbm>>) dst(%dma_wait3A_97 : memref<128x128xf32, #tpu.memory_space<vmem>>)
    %mul3A_105 = arith.constant 4 : i32
    %mul3A_106 = arith.muli %add3A, %mul3A_105 : i32
    %add3A_107 = arith.constant 0 : i32
    %add3A_108 = arith.addi %mul3A_106, %add3A_107 : i32
    %mul3A_109 = arith.constant 128 : i32
    %mul3A_110 = arith.muli %add3A_108, %mul3A_109 : i32
    %dma_start3A_111 = arith.constant 0 : i32
    %dma_start3A_112 = arith.constant 0 : i32
    %dma_start3A_113 = arith.constant 0 : i32
    %dma_start3A_114 = arith.constant 0 : i32
    %dma_start3A_115 = arith.constant 0 : i32
    %dma_start3A_116 = tpu.memref_slice %arg7[%dma_start3A_111, %dma_start3A_114, %dma_start3A_115] : memref<3x128x128xf32, #tpu.memory_space<vmem>> -> memref<1x128x128xf32, #tpu.memory_space<vmem>>
    %dma_start3A_117 = tpu.memref_squeeze %dma_start3A_116 : memref<1x128x128xf32, #tpu.memory_space<vmem>> -> memref<128x128xf32, #tpu.memory_space<vmem>>
    %dma_start3A_118 = arith.constant 0 : i32
    %dma_start3A_119 = tpu.memref_slice %arg5[%mul3A_110, %dma_start3A_112, %dma_start3A_118] : memref<16384x2x128xf32, #tpu.memory_space<hbm>> -> memref<128x1x128xf32, #tpu.memory_space<hbm>>
    %dma_start3A_120 = tpu.memref_squeeze %dma_start3A_119 : memref<128x1x128xf32, #tpu.memory_space<hbm>> -> memref<128x128xf32, #tpu.memory_space<hbm>>
    %dma_start3A_121 = tpu.memref_slice %arg10[%dma_start3A_113] : memref<3x!tpu.dma_semaphore, #tpu.memory_space<semaphore_mem>> -> memref<1x!tpu.dma_semaphore, #tpu.memory_space<semaphore_mem>>
    %dma_start3A_122 = tpu.memref_squeeze %dma_start3A_121 : memref<1x!tpu.dma_semaphore, #tpu.memory_space<semaphore_mem>> -> memref<!tpu.dma_semaphore, #tpu.memory_space<semaphore_mem>>
    %dma_start3A_123 = arith.constant 0 : i32
    %dma_start3A_124 = tpu.memref_slice %arg5[%mul3A_110, %dma_start3A_112, %dma_start3A_123] : memref<16384x2x128xf32, #tpu.memory_space<hbm>> -> memref<128x1x128xf32, #tpu.memory_space<hbm>>
    %dma_start3A_125 = tpu.memref_squeeze %dma_start3A_124 : memref<128x1x128xf32, #tpu.memory_space<hbm>> -> memref<128x128xf32, #tpu.memory_space<hbm>>
    %dma_start3A_126 = arith.constant 0 : i32
    %dma_start3A_127 = arith.constant 0 : i32
    %dma_start3A_128 = tpu.memref_slice %arg7[%dma_start3A_111, %dma_start3A_126, %dma_start3A_127] : memref<3x128x128xf32, #tpu.memory_space<vmem>> -> memref<1x128x128xf32, #tpu.memory_space<vmem>>
    %dma_start3A_129 = tpu.memref_squeeze %dma_start3A_128 : memref<1x128x128xf32, #tpu.memory_space<vmem>> -> memref<128x128xf32, #tpu.memory_space<vmem>>
    tpu.enqueue_dma source(%dma_start3A_129 : memref<128x128xf32, #tpu.memory_space<vmem>>) target(%dma_start3A_125 : memref<128x128xf32, #tpu.memory_space<hbm>>) target_semaphore(%dma_start3A_122 : memref<!tpu.dma_semaphore, #tpu.memory_space<semaphore_mem>>)
    %dma_start3A_130 = arith.constant 0 : i32
    %dma_start3A_131 = arith.constant 1 : i32
    %dma_start3A_132 = arith.constant 0 : i32
    %dma_start3A_133 = arith.constant 0 : i32
    %dma_start3A_134 = arith.constant 0 : i32
    %dma_start3A_135 = tpu.memref_slice %arg8[%dma_start3A_130, %dma_start3A_133, %dma_start3A_134] : memref<3x128x128xf32, #tpu.memory_space<vmem>> -> memref<1x128x128xf32, #tpu.memory_space<vmem>>
    %dma_start3A_136 = tpu.memref_squeeze %dma_start3A_135 : memref<1x128x128xf32, #tpu.memory_space<vmem>> -> memref<128x128xf32, #tpu.memory_space<vmem>>
    %dma_start3A_137 = arith.constant 0 : i32
    %dma_start3A_138 = tpu.memref_slice %arg5[%mul3A_110, %dma_start3A_131, %dma_start3A_137] : memref<16384x2x128xf32, #tpu.memory_space<hbm>> -> memref<128x1x128xf32, #tpu.memory_space<hbm>>
    %dma_start3A_139 = tpu.memref_squeeze %dma_start3A_138 : memref<128x1x128xf32, #tpu.memory_space<hbm>> -> memref<128x128xf32, #tpu.memory_space<hbm>>
    %dma_start3A_140 = tpu.memref_slice %arg10[%dma_start3A_132] : memref<3x!tpu.dma_semaphore, #tpu.memory_space<semaphore_mem>> -> memref<1x!tpu.dma_semaphore, #tpu.memory_space<semaphore_mem>>
    %dma_start3A_141 = tpu.memref_squeeze %dma_start3A_140 : memref<1x!tpu.dma_semaphore, #tpu.memory_space<semaphore_mem>> -> memref<!tpu.dma_semaphore, #tpu.memory_space<semaphore_mem>>
    %dma_start3A_142 = arith.constant 0 : i32
    %dma_start3A_143 = tpu.memref_slice %arg5[%mul3A_110, %dma_start3A_131, %dma_start3A_142] : memref<16384x2x128xf32, #tpu.memory_space<hbm>> -> memref<128x1x128xf32, #tpu.memory_space<hbm>>
    %dma_start3A_144 = tpu.memref_squeeze %dma_start3A_143 : memref<128x1x128xf32, #tpu.memory_space<hbm>> -> memref<128x128xf32, #tpu.memory_space<hbm>>
    %dma_start3A_145 = arith.constant 0 : i32
    %dma_start3A_146 = arith.constant 0 : i32
    %dma_start3A_147 = tpu.memref_slice %arg8[%dma_start3A_130, %dma_start3A_145, %dma_start3A_146] : memref<3x128x128xf32, #tpu.memory_space<vmem>> -> memref<1x128x128xf32, #tpu.memory_space<vmem>>
    %dma_start3A_148 = tpu.memref_squeeze %dma_start3A_147 : memref<1x128x128xf32, #tpu.memory_space<vmem>> -> memref<128x128xf32, #tpu.memory_space<vmem>>
    tpu.enqueue_dma source(%dma_start3A_148 : memref<128x128xf32, #tpu.memory_space<vmem>>) target(%dma_start3A_144 : memref<128x128xf32, #tpu.memory_space<hbm>>) target_semaphore(%dma_start3A_141 : memref<!tpu.dma_semaphore, #tpu.memory_space<semaphore_mem>>)
    %dma_wait3A_149 = arith.constant 0 : i32
    %dma_wait3A_150 = arith.constant 0 : i32
    %dma_wait3A_151 = arith.constant 0 : i32
    %dma_wait3A_152 = arith.constant 0 : i32
    %dma_wait3A_153 = arith.constant 0 : i32
    %dma_wait3A_154 = tpu.memref_slice %arg7[%dma_wait3A_149, %dma_wait3A_152, %dma_wait3A_153] : memref<3x128x128xf32, #tpu.memory_space<vmem>> -> memref<1x128x128xf32, #tpu.memory_space<vmem>>
    %dma_wait3A_155 = tpu.memref_squeeze %dma_wait3A_154 : memref<1x128x128xf32, #tpu.memory_space<vmem>> -> memref<128x128xf32, #tpu.memory_space<vmem>>
    %dma_wait3A_156 = arith.constant 0 : i32
    %dma_wait3A_157 = tpu.memref_slice %arg5[%mul3A_110, %dma_wait3A_150, %dma_wait3A_156] : memref<16384x2x128xf32, #tpu.memory_space<hbm>> -> memref<128x1x128xf32, #tpu.memory_space<hbm>>
    %dma_wait3A_158 = tpu.memref_squeeze %dma_wait3A_157 : memref<128x1x128xf32, #tpu.memory_space<hbm>> -> memref<128x128xf32, #tpu.memory_space<hbm>>
    %dma_wait3A_159 = tpu.memref_slice %arg10[%dma_wait3A_151] : memref<3x!tpu.dma_semaphore, #tpu.memory_space<semaphore_mem>> -> memref<1x!tpu.dma_semaphore, #tpu.memory_space<semaphore_mem>>
    %dma_wait3A_160 = tpu.memref_squeeze %dma_wait3A_159 : memref<1x!tpu.dma_semaphore, #tpu.memory_space<semaphore_mem>> -> memref<!tpu.dma_semaphore, #tpu.memory_space<semaphore_mem>>
    %dma_wait3A_161 = arith.constant 0 : i32
    %dma_wait3A_162 = tpu.memref_slice %arg5[%mul3A_110, %dma_wait3A_150, %dma_wait3A_161] : memref<16384x2x128xf32, #tpu.memory_space<hbm>> -> memref<128x1x128xf32, #tpu.memory_space<hbm>>
    %dma_wait3A_163 = tpu.memref_squeeze %dma_wait3A_162 : memref<128x1x128xf32, #tpu.memory_space<hbm>> -> memref<128x128xf32, #tpu.memory_space<hbm>>
    %dma_wait3A_164 = arith.constant 0 : i32
    %dma_wait3A_165 = arith.constant 0 : i32
    %dma_wait3A_166 = tpu.memref_slice %arg7[%dma_wait3A_149, %dma_wait3A_164, %dma_wait3A_165] : memref<3x128x128xf32, #tpu.memory_space<vmem>> -> memref<1x128x128xf32, #tpu.memory_space<vmem>>
    %dma_wait3A_167 = tpu.memref_squeeze %dma_wait3A_166 : memref<1x128x128xf32, #tpu.memory_space<vmem>> -> memref<128x128xf32, #tpu.memory_space<vmem>>
    tpu.wait_dma2 semaphore(%dma_wait3A_160 : memref<!tpu.dma_semaphore, #tpu.memory_space<semaphore_mem>>) src(%dma_wait3A_167 : memref<128x128xf32, #tpu.memory_space<vmem>>) dst(%dma_wait3A_163 : memref<128x128xf32, #tpu.memory_space<hbm>>)
    %dma_wait3A_168 = arith.constant 0 : i32
    %dma_wait3A_169 = arith.constant 1 : i32
    %dma_wait3A_170 = arith.constant 0 : i32
    %dma_wait3A_171 = arith.constant 0 : i32
    %dma_wait3A_172 = arith.constant 0 : i32
    %dma_wait3A_173 = tpu.memref_slice %arg8[%dma_wait3A_168, %dma_wait3A_171, %dma_wait3A_172] : memref<3x128x128xf32, #tpu.memory_space<vmem>> -> memref<1x128x128xf32, #tpu.memory_space<vmem>>
    %dma_wait3A_174 = tpu.memref_squeeze %dma_wait3A_173 : memref<1x128x128xf32, #tpu.memory_space<vmem>> -> memref<128x128xf32, #tpu.memory_space<vmem>>
    %dma_wait3A_175 = arith.constant 0 : i32
    %dma_wait3A_176 = tpu.memref_slice %arg5[%mul3A_110, %dma_wait3A_169, %dma_wait3A_175] : memref<16384x2x128xf32, #tpu.memory_space<hbm>> -> memref<128x1x128xf32, #tpu.memory_space<hbm>>
    %dma_wait3A_177 = tpu.memref_squeeze %dma_wait3A_176 : memref<128x1x128xf32, #tpu.memory_space<hbm>> -> memref<128x128xf32, #tpu.memory_space<hbm>>
    %dma_wait3A_178 = tpu.memref_slice %arg10[%dma_wait3A_170] : memref<3x!tpu.dma_semaphore, #tpu.memory_space<semaphore_mem>> -> memref<1x!tpu.dma_semaphore, #tpu.memory_space<semaphore_mem>>
    %dma_wait3A_179 = tpu.memref_squeeze %dma_wait3A_178 : memref<1x!tpu.dma_semaphore, #tpu.memory_space<semaphore_mem>> -> memref<!tpu.dma_semaphore, #tpu.memory_space<semaphore_mem>>
    %dma_wait3A_180 = arith.constant 0 : i32
    %dma_wait3A_181 = tpu.memref_slice %arg5[%mul3A_110, %dma_wait3A_169, %dma_wait3A_180] : memref<16384x2x128xf32, #tpu.memory_space<hbm>> -> memref<128x1x128xf32, #tpu.memory_space<hbm>>
    %dma_wait3A_182 = tpu.memref_squeeze %dma_wait3A_181 : memref<128x1x128xf32, #tpu.memory_space<hbm>> -> memref<128x128xf32, #tpu.memory_space<hbm>>
    %dma_wait3A_183 = arith.constant 0 : i32
    %dma_wait3A_184 = arith.constant 0 : i32
    %dma_wait3A_185 = tpu.memref_slice %arg8[%dma_wait3A_168, %dma_wait3A_183, %dma_wait3A_184] : memref<3x128x128xf32, #tpu.memory_space<vmem>> -> memref<1x128x128xf32, #tpu.memory_space<vmem>>
    %dma_wait3A_186 = tpu.memref_squeeze %dma_wait3A_185 : memref<1x128x128xf32, #tpu.memory_space<vmem>> -> memref<128x128xf32, #tpu.memory_space<vmem>>
    tpu.wait_dma2 semaphore(%dma_wait3A_179 : memref<!tpu.dma_semaphore, #tpu.memory_space<semaphore_mem>>) src(%dma_wait3A_186 : memref<128x128xf32, #tpu.memory_space<vmem>>) dst(%dma_wait3A_182 : memref<128x128xf32, #tpu.memory_space<hbm>>)
    %dma_start3A_187 = arith.constant 0 : i32
    %dma_start3A_188 = arith.constant 0 : i32
    %dma_start3A_189 = arith.constant 0 : i32
    %dma_start3A_190 = arith.constant 0 : i32
    %dma_start3A_191 = tpu.memref_slice %arg7[%dma_start3A_187, %dma_start3A_189, %dma_start3A_190] : memref<3x128x128xf32, #tpu.memory_space<vmem>> -> memref<1x128x128xf32, #tpu.memory_space<vmem>>
    %dma_start3A_192 = tpu.memref_squeeze %dma_start3A_191 : memref<1x128x128xf32, #tpu.memory_space<vmem>> -> memref<128x128xf32, #tpu.memory_space<vmem>>
    %dma_start3A_193 = arith.constant 384 : i32
    %dma_start3A_194 = tpu.memref_slice %arg6[%dma_start3A_193] : memref<512xi32, #tpu.memory_space<vmem>> -> memref<128xi32, #tpu.memory_space<vmem>>
    %dma_start3A_195 = arith.constant 0 : i32
    %dma_start3A_196 = arith.constant 0 : i32
    %dma_start3A_197 = tpu.memref_slice %arg3[%dma_start3A_195, %dma_start3A_196] : memref<100001x128xf32, #tpu.memory_space<hbm>> -> memref<100001x128xf32, #tpu.memory_space<hbm>>
    %dma_start3A_198 = tpu.memref_slice %arg9[%dma_start3A_188] : memref<3x!tpu.dma_semaphore, #tpu.memory_space<semaphore_mem>> -> memref<1x!tpu.dma_semaphore, #tpu.memory_space<semaphore_mem>>
    %dma_start3A_199 = tpu.memref_squeeze %dma_start3A_198 : memref<1x!tpu.dma_semaphore, #tpu.memory_space<semaphore_mem>> -> memref<!tpu.dma_semaphore, #tpu.memory_space<semaphore_mem>>
    tpu.enqueue_indirect_dma source(%dma_start3A_197 : memref<100001x128xf32, #tpu.memory_space<hbm>>) target(%dma_start3A_192 : memref<128x128xf32, #tpu.memory_space<vmem>>) offsets(%dma_start3A_194 : memref<128xi32, #tpu.memory_space<vmem>>) semaphore(%dma_start3A_199 : memref<!tpu.dma_semaphore, #tpu.memory_space<semaphore_mem>>)
    %dma_start3A_200 = arith.constant 0 : i32
    %dma_start3A_201 = arith.constant 0 : i32
    %dma_start3A_202 = arith.constant 0 : i32
    %dma_start3A_203 = arith.constant 0 : i32
    %dma_start3A_204 = tpu.memref_slice %arg8[%dma_start3A_200, %dma_start3A_202, %dma_start3A_203] : memref<3x128x128xf32, #tpu.memory_space<vmem>> -> memref<1x128x128xf32, #tpu.memory_space<vmem>>
    %dma_start3A_205 = tpu.memref_squeeze %dma_start3A_204 : memref<1x128x128xf32, #tpu.memory_space<vmem>> -> memref<128x128xf32, #tpu.memory_space<vmem>>
    %dma_start3A_206 = arith.constant 384 : i32
    %dma_start3A_207 = tpu.memref_slice %arg6[%dma_start3A_206] : memref<512xi32, #tpu.memory_space<vmem>> -> memref<128xi32, #tpu.memory_space<vmem>>
    %dma_start3A_208 = arith.constant 0 : i32
    %dma_start3A_209 = arith.constant 0 : i32
    %dma_start3A_210 = tpu.memref_slice %arg4[%dma_start3A_208, %dma_start3A_209] : memref<100001x128xf32, #tpu.memory_space<hbm>> -> memref<100001x128xf32, #tpu.memory_space<hbm>>
    %dma_start3A_211 = tpu.memref_slice %arg9[%dma_start3A_201] : memref<3x!tpu.dma_semaphore, #tpu.memory_space<semaphore_mem>> -> memref<1x!tpu.dma_semaphore, #tpu.memory_space<semaphore_mem>>
    %dma_start3A_212 = tpu.memref_squeeze %dma_start3A_211 : memref<1x!tpu.dma_semaphore, #tpu.memory_space<semaphore_mem>> -> memref<!tpu.dma_semaphore, #tpu.memory_space<semaphore_mem>>
    tpu.enqueue_indirect_dma source(%dma_start3A_210 : memref<100001x128xf32, #tpu.memory_space<hbm>>) target(%dma_start3A_205 : memref<128x128xf32, #tpu.memory_space<vmem>>) offsets(%dma_start3A_207 : memref<128xi32, #tpu.memory_space<vmem>>) semaphore(%dma_start3A_212 : memref<!tpu.dma_semaphore, #tpu.memory_space<semaphore_mem>>)
    %dma_wait3A_213 = arith.constant 1 : i32
    %dma_wait3A_214 = arith.constant 1 : i32
    %dma_wait3A_215 = arith.constant 0 : i32
    %dma_wait3A_216 = arith.constant 0 : i32
    %dma_wait3A_217 = tpu.memref_slice %arg7[%dma_wait3A_213, %dma_wait3A_215, %dma_wait3A_216] : memref<3x128x128xf32, #tpu.memory_space<vmem>> -> memref<1x128x128xf32, #tpu.memory_space<vmem>>
    %dma_wait3A_218 = tpu.memref_squeeze %dma_wait3A_217 : memref<1x128x128xf32, #tpu.memory_space<vmem>> -> memref<128x128xf32, #tpu.memory_space<vmem>>
    %dma_wait3A_219 = arith.constant 128 : i32
    %dma_wait3A_220 = tpu.memref_slice %arg6[%dma_wait3A_219] : memref<512xi32, #tpu.memory_space<vmem>> -> memref<128xi32, #tpu.memory_space<vmem>>
    %dma_wait3A_221 = arith.constant 0 : i32
    %dma_wait3A_222 = arith.constant 0 : i32
    %dma_wait3A_223 = tpu.memref_slice %arg3[%dma_wait3A_221, %dma_wait3A_222] : memref<100001x128xf32, #tpu.memory_space<hbm>> -> memref<100001x128xf32, #tpu.memory_space<hbm>>
    %dma_wait3A_224 = tpu.memref_slice %arg9[%dma_wait3A_214] : memref<3x!tpu.dma_semaphore, #tpu.memory_space<semaphore_mem>> -> memref<1x!tpu.dma_semaphore, #tpu.memory_space<semaphore_mem>>
    %dma_wait3A_225 = tpu.memref_squeeze %dma_wait3A_224 : memref<1x!tpu.dma_semaphore, #tpu.memory_space<semaphore_mem>> -> memref<!tpu.dma_semaphore, #tpu.memory_space<semaphore_mem>>
    tpu.wait_indirect_dma semaphore(%dma_wait3A_225 : memref<!tpu.dma_semaphore, #tpu.memory_space<semaphore_mem>>) src(%dma_wait3A_223 : memref<100001x128xf32, #tpu.memory_space<hbm>>) dst(%dma_wait3A_218 : memref<128x128xf32, #tpu.memory_space<vmem>>)
    %dma_wait3A_226 = arith.constant 1 : i32
    %dma_wait3A_227 = arith.constant 1 : i32
    %dma_wait3A_228 = arith.constant 0 : i32
    %dma_wait3A_229 = arith.constant 0 : i32
    %dma_wait3A_230 = tpu.memref_slice %arg8[%dma_wait3A_226, %dma_wait3A_228, %dma_wait3A_229] : memref<3x128x128xf32, #tpu.memory_space<vmem>> -> memref<1x128x128xf32, #tpu.memory_space<vmem>>
    %dma_wait3A_231 = tpu.memref_squeeze %dma_wait3A_230 : memref<1x128x128xf32, #tpu.memory_space<vmem>> -> memref<128x128xf32, #tpu.memory_space<vmem>>
    %dma_wait3A_232 = arith.constant 128 : i32
    %dma_wait3A_233 = tpu.memref_slice %arg6[%dma_wait3A_232] : memref<512xi32, #tpu.memory_space<vmem>> -> memref<128xi32, #tpu.memory_space<vmem>>
    %dma_wait3A_234 = arith.constant 0 : i32
    %dma_wait3A_235 = arith.constant 0 : i32
    %dma_wait3A_236 = tpu.memref_slice %arg4[%dma_wait3A_234, %dma_wait3A_235] : memref<100001x128xf32, #tpu.memory_space<hbm>> -> memref<100001x128xf32, #tpu.memory_space<hbm>>
    %dma_wait3A_237 = tpu.memref_slice %arg9[%dma_wait3A_227] : memref<3x!tpu.dma_semaphore, #tpu.memory_space<semaphore_mem>> -> memref<1x!tpu.dma_semaphore, #tpu.memory_space<semaphore_mem>>
    %dma_wait3A_238 = tpu.memref_squeeze %dma_wait3A_237 : memref<1x!tpu.dma_semaphore, #tpu.memory_space<semaphore_mem>> -> memref<!tpu.dma_semaphore, #tpu.memory_space<semaphore_mem>>
    tpu.wait_indirect_dma semaphore(%dma_wait3A_238 : memref<!tpu.dma_semaphore, #tpu.memory_space<semaphore_mem>>) src(%dma_wait3A_236 : memref<100001x128xf32, #tpu.memory_space<hbm>>) dst(%dma_wait3A_231 : memref<128x128xf32, #tpu.memory_space<vmem>>)
    %mul3A_239 = arith.constant 4 : i32
    %mul3A_240 = arith.muli %add3A, %mul3A_239 : i32
    %add3A_241 = arith.constant 1 : i32
    %add3A_242 = arith.addi %mul3A_240, %add3A_241 : i32
    %mul3A_243 = arith.constant 128 : i32
    %mul3A_244 = arith.muli %add3A_242, %mul3A_243 : i32
    %dma_start3A_245 = arith.constant 1 : i32
    %dma_start3A_246 = arith.constant 0 : i32
    %dma_start3A_247 = arith.constant 1 : i32
    %dma_start3A_248 = arith.constant 0 : i32
    %dma_start3A_249 = arith.constant 0 : i32
    %dma_start3A_250 = tpu.memref_slice %arg7[%dma_start3A_245, %dma_start3A_248, %dma_start3A_249] : memref<3x128x128xf32, #tpu.memory_space<vmem>> -> memref<1x128x128xf32, #tpu.memory_space<vmem>>
    %dma_start3A_251 = tpu.memref_squeeze %dma_start3A_250 : memref<1x128x128xf32, #tpu.memory_space<vmem>> -> memref<128x128xf32, #tpu.memory_space<vmem>>
    %dma_start3A_252 = arith.constant 0 : i32
    %dma_start3A_253 = tpu.memref_slice %arg5[%mul3A_244, %dma_start3A_246, %dma_start3A_252] : memref<16384x2x128xf32, #tpu.memory_space<hbm>> -> memref<128x1x128xf32, #tpu.memory_space<hbm>>
    %dma_start3A_254 = tpu.memref_squeeze %dma_start3A_253 : memref<128x1x128xf32, #tpu.memory_space<hbm>> -> memref<128x128xf32, #tpu.memory_space<hbm>>
    %dma_start3A_255 = tpu.memref_slice %arg10[%dma_start3A_247] : memref<3x!tpu.dma_semaphore, #tpu.memory_space<semaphore_mem>> -> memref<1x!tpu.dma_semaphore, #tpu.memory_space<semaphore_mem>>
    %dma_start3A_256 = tpu.memref_squeeze %dma_start3A_255 : memref<1x!tpu.dma_semaphore, #tpu.memory_space<semaphore_mem>> -> memref<!tpu.dma_semaphore, #tpu.memory_space<semaphore_mem>>
    %dma_start3A_257 = arith.constant 0 : i32
    %dma_start3A_258 = tpu.memref_slice %arg5[%mul3A_244, %dma_start3A_246, %dma_start3A_257] : memref<16384x2x128xf32, #tpu.memory_space<hbm>> -> memref<128x1x128xf32, #tpu.memory_space<hbm>>
    %dma_start3A_259 = tpu.memref_squeeze %dma_start3A_258 : memref<128x1x128xf32, #tpu.memory_space<hbm>> -> memref<128x128xf32, #tpu.memory_space<hbm>>
    %dma_start3A_260 = arith.constant 0 : i32
    %dma_start3A_261 = arith.constant 0 : i32
    %dma_start3A_262 = tpu.memref_slice %arg7[%dma_start3A_245, %dma_start3A_260, %dma_start3A_261] : memref<3x128x128xf32, #tpu.memory_space<vmem>> -> memref<1x128x128xf32, #tpu.memory_space<vmem>>
    %dma_start3A_263 = tpu.memref_squeeze %dma_start3A_262 : memref<1x128x128xf32, #tpu.memory_space<vmem>> -> memref<128x128xf32, #tpu.memory_space<vmem>>
    tpu.enqueue_dma source(%dma_start3A_263 : memref<128x128xf32, #tpu.memory_space<vmem>>) target(%dma_start3A_259 : memref<128x128xf32, #tpu.memory_space<hbm>>) target_semaphore(%dma_start3A_256 : memref<!tpu.dma_semaphore, #tpu.memory_space<semaphore_mem>>)
    %dma_start3A_264 = arith.constant 1 : i32
    %dma_start3A_265 = arith.constant 1 : i32
    %dma_start3A_266 = arith.constant 1 : i32
    %dma_start3A_267 = arith.constant 0 : i32
    %dma_start3A_268 = arith.constant 0 : i32
    %dma_start3A_269 = tpu.memref_slice %arg8[%dma_start3A_264, %dma_start3A_267, %dma_start3A_268] : memref<3x128x128xf32, #tpu.memory_space<vmem>> -> memref<1x128x128xf32, #tpu.memory_space<vmem>>
    %dma_start3A_270 = tpu.memref_squeeze %dma_start3A_269 : memref<1x128x128xf32, #tpu.memory_space<vmem>> -> memref<128x128xf32, #tpu.memory_space<vmem>>
    %dma_start3A_271 = arith.constant 0 : i32
    %dma_start3A_272 = tpu.memref_slice %arg5[%mul3A_244, %dma_start3A_265, %dma_start3A_271] : memref<16384x2x128xf32, #tpu.memory_space<hbm>> -> memref<128x1x128xf32, #tpu.memory_space<hbm>>
    %dma_start3A_273 = tpu.memref_squeeze %dma_start3A_272 : memref<128x1x128xf32, #tpu.memory_space<hbm>> -> memref<128x128xf32, #tpu.memory_space<hbm>>
    %dma_start3A_274 = tpu.memref_slice %arg10[%dma_start3A_266] : memref<3x!tpu.dma_semaphore, #tpu.memory_space<semaphore_mem>> -> memref<1x!tpu.dma_semaphore, #tpu.memory_space<semaphore_mem>>
    %dma_start3A_275 = tpu.memref_squeeze %dma_start3A_274 : memref<1x!tpu.dma_semaphore, #tpu.memory_space<semaphore_mem>> -> memref<!tpu.dma_semaphore, #tpu.memory_space<semaphore_mem>>
    %dma_start3A_276 = arith.constant 0 : i32
    %dma_start3A_277 = tpu.memref_slice %arg5[%mul3A_244, %dma_start3A_265, %dma_start3A_276] : memref<16384x2x128xf32, #tpu.memory_space<hbm>> -> memref<128x1x128xf32, #tpu.memory_space<hbm>>
    %dma_start3A_278 = tpu.memref_squeeze %dma_start3A_277 : memref<128x1x128xf32, #tpu.memory_space<hbm>> -> memref<128x128xf32, #tpu.memory_space<hbm>>
    %dma_start3A_279 = arith.constant 0 : i32
    %dma_start3A_280 = arith.constant 0 : i32
    %dma_start3A_281 = tpu.memref_slice %arg8[%dma_start3A_264, %dma_start3A_279, %dma_start3A_280] : memref<3x128x128xf32, #tpu.memory_space<vmem>> -> memref<1x128x128xf32, #tpu.memory_space<vmem>>
    %dma_start3A_282 = tpu.memref_squeeze %dma_start3A_281 : memref<1x128x128xf32, #tpu.memory_space<vmem>> -> memref<128x128xf32, #tpu.memory_space<vmem>>
    tpu.enqueue_dma source(%dma_start3A_282 : memref<128x128xf32, #tpu.memory_space<vmem>>) target(%dma_start3A_278 : memref<128x128xf32, #tpu.memory_space<hbm>>) target_semaphore(%dma_start3A_275 : memref<!tpu.dma_semaphore, #tpu.memory_space<semaphore_mem>>)
    %dma_wait3A_283 = arith.constant 2 : i32
    %dma_wait3A_284 = arith.constant 2 : i32
    %dma_wait3A_285 = arith.constant 0 : i32
    %dma_wait3A_286 = arith.constant 0 : i32
    %dma_wait3A_287 = tpu.memref_slice %arg7[%dma_wait3A_283, %dma_wait3A_285, %dma_wait3A_286] : memref<3x128x128xf32, #tpu.memory_space<vmem>> -> memref<1x128x128xf32, #tpu.memory_space<vmem>>
    %dma_wait3A_288 = tpu.memref_squeeze %dma_wait3A_287 : memref<1x128x128xf32, #tpu.memory_space<vmem>> -> memref<128x128xf32, #tpu.memory_space<vmem>>
    %dma_wait3A_289 = arith.constant 256 : i32
    %dma_wait3A_290 = tpu.memref_slice %arg6[%dma_wait3A_289] : memref<512xi32, #tpu.memory_space<vmem>> -> memref<128xi32, #tpu.memory_space<vmem>>
    %dma_wait3A_291 = arith.constant 0 : i32
    %dma_wait3A_292 = arith.constant 0 : i32
    %dma_wait3A_293 = tpu.memref_slice %arg3[%dma_wait3A_291, %dma_wait3A_292] : memref<100001x128xf32, #tpu.memory_space<hbm>> -> memref<100001x128xf32, #tpu.memory_space<hbm>>
    %dma_wait3A_294 = tpu.memref_slice %arg9[%dma_wait3A_284] : memref<3x!tpu.dma_semaphore, #tpu.memory_space<semaphore_mem>> -> memref<1x!tpu.dma_semaphore, #tpu.memory_space<semaphore_mem>>
    %dma_wait3A_295 = tpu.memref_squeeze %dma_wait3A_294 : memref<1x!tpu.dma_semaphore, #tpu.memory_space<semaphore_mem>> -> memref<!tpu.dma_semaphore, #tpu.memory_space<semaphore_mem>>
    tpu.wait_indirect_dma semaphore(%dma_wait3A_295 : memref<!tpu.dma_semaphore, #tpu.memory_space<semaphore_mem>>) src(%dma_wait3A_293 : memref<100001x128xf32, #tpu.memory_space<hbm>>) dst(%dma_wait3A_288 : memref<128x128xf32, #tpu.memory_space<vmem>>)
    %dma_wait3A_296 = arith.constant 2 : i32
    %dma_wait3A_297 = arith.constant 2 : i32
    %dma_wait3A_298 = arith.constant 0 : i32
    %dma_wait3A_299 = arith.constant 0 : i32
    %dma_wait3A_300 = tpu.memref_slice %arg8[%dma_wait3A_296, %dma_wait3A_298, %dma_wait3A_299] : memref<3x128x128xf32, #tpu.memory_space<vmem>> -> memref<1x128x128xf32, #tpu.memory_space<vmem>>
    %dma_wait3A_301 = tpu.memref_squeeze %dma_wait3A_300 : memref<1x128x128xf32, #tpu.memory_space<vmem>> -> memref<128x128xf32, #tpu.memory_space<vmem>>
    %dma_wait3A_302 = arith.constant 256 : i32
    %dma_wait3A_303 = tpu.memref_slice %arg6[%dma_wait3A_302] : memref<512xi32, #tpu.memory_space<vmem>> -> memref<128xi32, #tpu.memory_space<vmem>>
    %dma_wait3A_304 = arith.constant 0 : i32
    %dma_wait3A_305 = arith.constant 0 : i32
    %dma_wait3A_306 = tpu.memref_slice %arg4[%dma_wait3A_304, %dma_wait3A_305] : memref<100001x128xf32, #tpu.memory_space<hbm>> -> memref<100001x128xf32, #tpu.memory_space<hbm>>
    %dma_wait3A_307 = tpu.memref_slice %arg9[%dma_wait3A_297] : memref<3x!tpu.dma_semaphore, #tpu.memory_space<semaphore_mem>> -> memref<1x!tpu.dma_semaphore, #tpu.memory_space<semaphore_mem>>
    %dma_wait3A_308 = tpu.memref_squeeze %dma_wait3A_307 : memref<1x!tpu.dma_semaphore, #tpu.memory_space<semaphore_mem>> -> memref<!tpu.dma_semaphore, #tpu.memory_space<semaphore_mem>>
    tpu.wait_indirect_dma semaphore(%dma_wait3A_308 : memref<!tpu.dma_semaphore, #tpu.memory_space<semaphore_mem>>) src(%dma_wait3A_306 : memref<100001x128xf32, #tpu.memory_space<hbm>>) dst(%dma_wait3A_301 : memref<128x128xf32, #tpu.memory_space<vmem>>)
    %mul3A_309 = arith.constant 4 : i32
    %mul3A_310 = arith.muli %add3A, %mul3A_309 : i32
    %add3A_311 = arith.constant 2 : i32
    %add3A_312 = arith.addi %mul3A_310, %add3A_311 : i32
    %mul3A_313 = arith.constant 128 : i32
    %mul3A_314 = arith.muli %add3A_312, %mul3A_313 : i32
    %dma_start3A_315 = arith.constant 2 : i32
    %dma_start3A_316 = arith.constant 0 : i32
    %dma_start3A_317 = arith.constant 2 : i32
    %dma_start3A_318 = arith.constant 0 : i32
    %dma_start3A_319 = arith.constant 0 : i32
    %dma_start3A_320 = tpu.memref_slice %arg7[%dma_start3A_315, %dma_start3A_318, %dma_start3A_319] : memref<3x128x128xf32, #tpu.memory_space<vmem>> -> memref<1x128x128xf32, #tpu.memory_space<vmem>>
    %dma_start3A_321 = tpu.memref_squeeze %dma_start3A_320 : memref<1x128x128xf32, #tpu.memory_space<vmem>> -> memref<128x128xf32, #tpu.memory_space<vmem>>
    %dma_start3A_322 = arith.constant 0 : i32
    %dma_start3A_323 = tpu.memref_slice %arg5[%mul3A_314, %dma_start3A_316, %dma_start3A_322] : memref<16384x2x128xf32, #tpu.memory_space<hbm>> -> memref<128x1x128xf32, #tpu.memory_space<hbm>>
    %dma_start3A_324 = tpu.memref_squeeze %dma_start3A_323 : memref<128x1x128xf32, #tpu.memory_space<hbm>> -> memref<128x128xf32, #tpu.memory_space<hbm>>
    %dma_start3A_325 = tpu.memref_slice %arg10[%dma_start3A_317] : memref<3x!tpu.dma_semaphore, #tpu.memory_space<semaphore_mem>> -> memref<1x!tpu.dma_semaphore, #tpu.memory_space<semaphore_mem>>
    %dma_start3A_326 = tpu.memref_squeeze %dma_start3A_325 : memref<1x!tpu.dma_semaphore, #tpu.memory_space<semaphore_mem>> -> memref<!tpu.dma_semaphore, #tpu.memory_space<semaphore_mem>>
    %dma_start3A_327 = arith.constant 0 : i32
    %dma_start3A_328 = tpu.memref_slice %arg5[%mul3A_314, %dma_start3A_316, %dma_start3A_327] : memref<16384x2x128xf32, #tpu.memory_space<hbm>> -> memref<128x1x128xf32, #tpu.memory_space<hbm>>
    %dma_start3A_329 = tpu.memref_squeeze %dma_start3A_328 : memref<128x1x128xf32, #tpu.memory_space<hbm>> -> memref<128x128xf32, #tpu.memory_space<hbm>>
    %dma_start3A_330 = arith.constant 0 : i32
    %dma_start3A_331 = arith.constant 0 : i32
    %dma_start3A_332 = tpu.memref_slice %arg7[%dma_start3A_315, %dma_start3A_330, %dma_start3A_331] : memref<3x128x128xf32, #tpu.memory_space<vmem>> -> memref<1x128x128xf32, #tpu.memory_space<vmem>>
    %dma_start3A_333 = tpu.memref_squeeze %dma_start3A_332 : memref<1x128x128xf32, #tpu.memory_space<vmem>> -> memref<128x128xf32, #tpu.memory_space<vmem>>
    tpu.enqueue_dma source(%dma_start3A_333 : memref<128x128xf32, #tpu.memory_space<vmem>>) target(%dma_start3A_329 : memref<128x128xf32, #tpu.memory_space<hbm>>) target_semaphore(%dma_start3A_326 : memref<!tpu.dma_semaphore, #tpu.memory_space<semaphore_mem>>)
    %dma_start3A_334 = arith.constant 2 : i32
    %dma_start3A_335 = arith.constant 1 : i32
    %dma_start3A_336 = arith.constant 2 : i32
    %dma_start3A_337 = arith.constant 0 : i32
    %dma_start3A_338 = arith.constant 0 : i32
    %dma_start3A_339 = tpu.memref_slice %arg8[%dma_start3A_334, %dma_start3A_337, %dma_start3A_338] : memref<3x128x128xf32, #tpu.memory_space<vmem>> -> memref<1x128x128xf32, #tpu.memory_space<vmem>>
    %dma_start3A_340 = tpu.memref_squeeze %dma_start3A_339 : memref<1x128x128xf32, #tpu.memory_space<vmem>> -> memref<128x128xf32, #tpu.memory_space<vmem>>
    %dma_start3A_341 = arith.constant 0 : i32
    %dma_start3A_342 = tpu.memref_slice %arg5[%mul3A_314, %dma_start3A_335, %dma_start3A_341] : memref<16384x2x128xf32, #tpu.memory_space<hbm>> -> memref<128x1x128xf32, #tpu.memory_space<hbm>>
    %dma_start3A_343 = tpu.memref_squeeze %dma_start3A_342 : memref<128x1x128xf32, #tpu.memory_space<hbm>> -> memref<128x128xf32, #tpu.memory_space<hbm>>
    %dma_start3A_344 = tpu.memref_slice %arg10[%dma_start3A_336] : memref<3x!tpu.dma_semaphore, #tpu.memory_space<semaphore_mem>> -> memref<1x!tpu.dma_semaphore, #tpu.memory_space<semaphore_mem>>
    %dma_start3A_345 = tpu.memref_squeeze %dma_start3A_344 : memref<1x!tpu.dma_semaphore, #tpu.memory_space<semaphore_mem>> -> memref<!tpu.dma_semaphore, #tpu.memory_space<semaphore_mem>>
    %dma_start3A_346 = arith.constant 0 : i32
    %dma_start3A_347 = tpu.memref_slice %arg5[%mul3A_314, %dma_start3A_335, %dma_start3A_346] : memref<16384x2x128xf32, #tpu.memory_space<hbm>> -> memref<128x1x128xf32, #tpu.memory_space<hbm>>
    %dma_start3A_348 = tpu.memref_squeeze %dma_start3A_347 : memref<128x1x128xf32, #tpu.memory_space<hbm>> -> memref<128x128xf32, #tpu.memory_space<hbm>>
    %dma_start3A_349 = arith.constant 0 : i32
    %dma_start3A_350 = arith.constant 0 : i32
    %dma_start3A_351 = tpu.memref_slice %arg8[%dma_start3A_334, %dma_start3A_349, %dma_start3A_350] : memref<3x128x128xf32, #tpu.memory_space<vmem>> -> memref<1x128x128xf32, #tpu.memory_space<vmem>>
    %dma_start3A_352 = tpu.memref_squeeze %dma_start3A_351 : memref<1x128x128xf32, #tpu.memory_space<vmem>> -> memref<128x128xf32, #tpu.memory_space<vmem>>
    tpu.enqueue_dma source(%dma_start3A_352 : memref<128x128xf32, #tpu.memory_space<vmem>>) target(%dma_start3A_348 : memref<128x128xf32, #tpu.memory_space<hbm>>) target_semaphore(%dma_start3A_345 : memref<!tpu.dma_semaphore, #tpu.memory_space<semaphore_mem>>)
    %dma_wait3A_353 = arith.constant 0 : i32
    %dma_wait3A_354 = arith.constant 0 : i32
    %dma_wait3A_355 = arith.constant 0 : i32
    %dma_wait3A_356 = arith.constant 0 : i32
    %dma_wait3A_357 = tpu.memref_slice %arg7[%dma_wait3A_353, %dma_wait3A_355, %dma_wait3A_356] : memref<3x128x128xf32, #tpu.memory_space<vmem>> -> memref<1x128x128xf32, #tpu.memory_space<vmem>>
    %dma_wait3A_358 = tpu.memref_squeeze %dma_wait3A_357 : memref<1x128x128xf32, #tpu.memory_space<vmem>> -> memref<128x128xf32, #tpu.memory_space<vmem>>
    %dma_wait3A_359 = arith.constant 384 : i32
    %dma_wait3A_360 = tpu.memref_slice %arg6[%dma_wait3A_359] : memref<512xi32, #tpu.memory_space<vmem>> -> memref<128xi32, #tpu.memory_space<vmem>>
    %dma_wait3A_361 = arith.constant 0 : i32
    %dma_wait3A_362 = arith.constant 0 : i32
    %dma_wait3A_363 = tpu.memref_slice %arg3[%dma_wait3A_361, %dma_wait3A_362] : memref<100001x128xf32, #tpu.memory_space<hbm>> -> memref<100001x128xf32, #tpu.memory_space<hbm>>
    %dma_wait3A_364 = tpu.memref_slice %arg9[%dma_wait3A_354] : memref<3x!tpu.dma_semaphore, #tpu.memory_space<semaphore_mem>> -> memref<1x!tpu.dma_semaphore, #tpu.memory_space<semaphore_mem>>
    %dma_wait3A_365 = tpu.memref_squeeze %dma_wait3A_364 : memref<1x!tpu.dma_semaphore, #tpu.memory_space<semaphore_mem>> -> memref<!tpu.dma_semaphore, #tpu.memory_space<semaphore_mem>>
    tpu.wait_indirect_dma semaphore(%dma_wait3A_365 : memref<!tpu.dma_semaphore, #tpu.memory_space<semaphore_mem>>) src(%dma_wait3A_363 : memref<100001x128xf32, #tpu.memory_space<hbm>>) dst(%dma_wait3A_358 : memref<128x128xf32, #tpu.memory_space<vmem>>)
    %dma_wait3A_366 = arith.constant 0 : i32
    %dma_wait3A_367 = arith.constant 0 : i32
    %dma_wait3A_368 = arith.constant 0 : i32
    %dma_wait3A_369 = arith.constant 0 : i32
    %dma_wait3A_370 = tpu.memref_slice %arg8[%dma_wait3A_366, %dma_wait3A_368, %dma_wait3A_369] : memref<3x128x128xf32, #tpu.memory_space<vmem>> -> memref<1x128x128xf32, #tpu.memory_space<vmem>>
    %dma_wait3A_371 = tpu.memref_squeeze %dma_wait3A_370 : memref<1x128x128xf32, #tpu.memory_space<vmem>> -> memref<128x128xf32, #tpu.memory_space<vmem>>
    %dma_wait3A_372 = arith.constant 384 : i32
    %dma_wait3A_373 = tpu.memref_slice %arg6[%dma_wait3A_372] : memref<512xi32, #tpu.memory_space<vmem>> -> memref<128xi32, #tpu.memory_space<vmem>>
    %dma_wait3A_374 = arith.constant 0 : i32
    %dma_wait3A_375 = arith.constant 0 : i32
    %dma_wait3A_376 = tpu.memref_slice %arg4[%dma_wait3A_374, %dma_wait3A_375] : memref<100001x128xf32, #tpu.memory_space<hbm>> -> memref<100001x128xf32, #tpu.memory_space<hbm>>
    %dma_wait3A_377 = tpu.memref_slice %arg9[%dma_wait3A_367] : memref<3x!tpu.dma_semaphore, #tpu.memory_space<semaphore_mem>> -> memref<1x!tpu.dma_semaphore, #tpu.memory_space<semaphore_mem>>
    %dma_wait3A_378 = tpu.memref_squeeze %dma_wait3A_377 : memref<1x!tpu.dma_semaphore, #tpu.memory_space<semaphore_mem>> -> memref<!tpu.dma_semaphore, #tpu.memory_space<semaphore_mem>>
    tpu.wait_indirect_dma semaphore(%dma_wait3A_378 : memref<!tpu.dma_semaphore, #tpu.memory_space<semaphore_mem>>) src(%dma_wait3A_376 : memref<100001x128xf32, #tpu.memory_space<hbm>>) dst(%dma_wait3A_371 : memref<128x128xf32, #tpu.memory_space<vmem>>)
    %mul3A_379 = arith.constant 4 : i32
    %mul3A_380 = arith.muli %add3A, %mul3A_379 : i32
    %add3A_381 = arith.constant 3 : i32
    %add3A_382 = arith.addi %mul3A_380, %add3A_381 : i32
    %mul3A_383 = arith.constant 128 : i32
    %mul3A_384 = arith.muli %add3A_382, %mul3A_383 : i32
    %dma_start3A_385 = arith.constant 0 : i32
    %dma_start3A_386 = arith.constant 0 : i32
    %dma_start3A_387 = arith.constant 0 : i32
    %dma_start3A_388 = arith.constant 0 : i32
    %dma_start3A_389 = arith.constant 0 : i32
    %dma_start3A_390 = tpu.memref_slice %arg7[%dma_start3A_385, %dma_start3A_388, %dma_start3A_389] : memref<3x128x128xf32, #tpu.memory_space<vmem>> -> memref<1x128x128xf32, #tpu.memory_space<vmem>>
    %dma_start3A_391 = tpu.memref_squeeze %dma_start3A_390 : memref<1x128x128xf32, #tpu.memory_space<vmem>> -> memref<128x128xf32, #tpu.memory_space<vmem>>
    %dma_start3A_392 = arith.constant 0 : i32
    %dma_start3A_393 = tpu.memref_slice %arg5[%mul3A_384, %dma_start3A_386, %dma_start3A_392] : memref<16384x2x128xf32, #tpu.memory_space<hbm>> -> memref<128x1x128xf32, #tpu.memory_space<hbm>>
    %dma_start3A_394 = tpu.memref_squeeze %dma_start3A_393 : memref<128x1x128xf32, #tpu.memory_space<hbm>> -> memref<128x128xf32, #tpu.memory_space<hbm>>
    %dma_start3A_395 = tpu.memref_slice %arg10[%dma_start3A_387] : memref<3x!tpu.dma_semaphore, #tpu.memory_space<semaphore_mem>> -> memref<1x!tpu.dma_semaphore, #tpu.memory_space<semaphore_mem>>
    %dma_start3A_396 = tpu.memref_squeeze %dma_start3A_395 : memref<1x!tpu.dma_semaphore, #tpu.memory_space<semaphore_mem>> -> memref<!tpu.dma_semaphore, #tpu.memory_space<semaphore_mem>>
    %dma_start3A_397 = arith.constant 0 : i32
    %dma_start3A_398 = tpu.memref_slice %arg5[%mul3A_384, %dma_start3A_386, %dma_start3A_397] : memref<16384x2x128xf32, #tpu.memory_space<hbm>> -> memref<128x1x128xf32, #tpu.memory_space<hbm>>
    %dma_start3A_399 = tpu.memref_squeeze %dma_start3A_398 : memref<128x1x128xf32, #tpu.memory_space<hbm>> -> memref<128x128xf32, #tpu.memory_space<hbm>>
    %dma_start3A_400 = arith.constant 0 : i32
    %dma_start3A_401 = arith.constant 0 : i32
    %dma_start3A_402 = tpu.memref_slice %arg7[%dma_start3A_385, %dma_start3A_400, %dma_start3A_401] : memref<3x128x128xf32, #tpu.memory_space<vmem>> -> memref<1x128x128xf32, #tpu.memory_space<vmem>>
    %dma_start3A_403 = tpu.memref_squeeze %dma_start3A_402 : memref<1x128x128xf32, #tpu.memory_space<vmem>> -> memref<128x128xf32, #tpu.memory_space<vmem>>
    tpu.enqueue_dma source(%dma_start3A_403 : memref<128x128xf32, #tpu.memory_space<vmem>>) target(%dma_start3A_399 : memref<128x128xf32, #tpu.memory_space<hbm>>) target_semaphore(%dma_start3A_396 : memref<!tpu.dma_semaphore, #tpu.memory_space<semaphore_mem>>)
    %dma_start3A_404 = arith.constant 0 : i32
    %dma_start3A_405 = arith.constant 1 : i32
    %dma_start3A_406 = arith.constant 0 : i32
    %dma_start3A_407 = arith.constant 0 : i32
    %dma_start3A_408 = arith.constant 0 : i32
    %dma_start3A_409 = tpu.memref_slice %arg8[%dma_start3A_404, %dma_start3A_407, %dma_start3A_408] : memref<3x128x128xf32, #tpu.memory_space<vmem>> -> memref<1x128x128xf32, #tpu.memory_space<vmem>>
    %dma_start3A_410 = tpu.memref_squeeze %dma_start3A_409 : memref<1x128x128xf32, #tpu.memory_space<vmem>> -> memref<128x128xf32, #tpu.memory_space<vmem>>
    %dma_start3A_411 = arith.constant 0 : i32
    %dma_start3A_412 = tpu.memref_slice %arg5[%mul3A_384, %dma_start3A_405, %dma_start3A_411] : memref<16384x2x128xf32, #tpu.memory_space<hbm>> -> memref<128x1x128xf32, #tpu.memory_space<hbm>>
    %dma_start3A_413 = tpu.memref_squeeze %dma_start3A_412 : memref<128x1x128xf32, #tpu.memory_space<hbm>> -> memref<128x128xf32, #tpu.memory_space<hbm>>
    %dma_start3A_414 = tpu.memref_slice %arg10[%dma_start3A_406] : memref<3x!tpu.dma_semaphore, #tpu.memory_space<semaphore_mem>> -> memref<1x!tpu.dma_semaphore, #tpu.memory_space<semaphore_mem>>
    %dma_start3A_415 = tpu.memref_squeeze %dma_start3A_414 : memref<1x!tpu.dma_semaphore, #tpu.memory_space<semaphore_mem>> -> memref<!tpu.dma_semaphore, #tpu.memory_space<semaphore_mem>>
    %dma_start3A_416 = arith.constant 0 : i32
    %dma_start3A_417 = tpu.memref_slice %arg5[%mul3A_384, %dma_start3A_405, %dma_start3A_416] : memref<16384x2x128xf32, #tpu.memory_space<hbm>> -> memref<128x1x128xf32, #tpu.memory_space<hbm>>
    %dma_start3A_418 = tpu.memref_squeeze %dma_start3A_417 : memref<128x1x128xf32, #tpu.memory_space<hbm>> -> memref<128x128xf32, #tpu.memory_space<hbm>>
    %dma_start3A_419 = arith.constant 0 : i32
    %dma_start3A_420 = arith.constant 0 : i32
    %dma_start3A_421 = tpu.memref_slice %arg8[%dma_start3A_404, %dma_start3A_419, %dma_start3A_420] : memref<3x128x128xf32, #tpu.memory_space<vmem>> -> memref<1x128x128xf32, #tpu.memory_space<vmem>>
    %dma_start3A_422 = tpu.memref_squeeze %dma_start3A_421 : memref<1x128x128xf32, #tpu.memory_space<vmem>> -> memref<128x128xf32, #tpu.memory_space<vmem>>
    tpu.enqueue_dma source(%dma_start3A_422 : memref<128x128xf32, #tpu.memory_space<vmem>>) target(%dma_start3A_418 : memref<128x128xf32, #tpu.memory_space<hbm>>) target_semaphore(%dma_start3A_415 : memref<!tpu.dma_semaphore, #tpu.memory_space<semaphore_mem>>)
    %dma_wait3A_423 = arith.constant 1 : i32
    %dma_wait3A_424 = arith.constant 0 : i32
    %dma_wait3A_425 = arith.constant 1 : i32
    %dma_wait3A_426 = arith.constant 0 : i32
    %dma_wait3A_427 = arith.constant 0 : i32
    %dma_wait3A_428 = tpu.memref_slice %arg7[%dma_wait3A_423, %dma_wait3A_426, %dma_wait3A_427] : memref<3x128x128xf32, #tpu.memory_space<vmem>> -> memref<1x128x128xf32, #tpu.memory_space<vmem>>
    %dma_wait3A_429 = tpu.memref_squeeze %dma_wait3A_428 : memref<1x128x128xf32, #tpu.memory_space<vmem>> -> memref<128x128xf32, #tpu.memory_space<vmem>>
    %dma_wait3A_430 = arith.constant 0 : i32
    %dma_wait3A_431 = tpu.memref_slice %arg5[%mul3A_244, %dma_wait3A_424, %dma_wait3A_430] : memref<16384x2x128xf32, #tpu.memory_space<hbm>> -> memref<128x1x128xf32, #tpu.memory_space<hbm>>
    %dma_wait3A_432 = tpu.memref_squeeze %dma_wait3A_431 : memref<128x1x128xf32, #tpu.memory_space<hbm>> -> memref<128x128xf32, #tpu.memory_space<hbm>>
    %dma_wait3A_433 = tpu.memref_slice %arg10[%dma_wait3A_425] : memref<3x!tpu.dma_semaphore, #tpu.memory_space<semaphore_mem>> -> memref<1x!tpu.dma_semaphore, #tpu.memory_space<semaphore_mem>>
    %dma_wait3A_434 = tpu.memref_squeeze %dma_wait3A_433 : memref<1x!tpu.dma_semaphore, #tpu.memory_space<semaphore_mem>> -> memref<!tpu.dma_semaphore, #tpu.memory_space<semaphore_mem>>
    %dma_wait3A_435 = arith.constant 0 : i32
    %dma_wait3A_436 = tpu.memref_slice %arg5[%mul3A_244, %dma_wait3A_424, %dma_wait3A_435] : memref<16384x2x128xf32, #tpu.memory_space<hbm>> -> memref<128x1x128xf32, #tpu.memory_space<hbm>>
    %dma_wait3A_437 = tpu.memref_squeeze %dma_wait3A_436 : memref<128x1x128xf32, #tpu.memory_space<hbm>> -> memref<128x128xf32, #tpu.memory_space<hbm>>
    %dma_wait3A_438 = arith.constant 0 : i32
    %dma_wait3A_439 = arith.constant 0 : i32
    %dma_wait3A_440 = tpu.memref_slice %arg7[%dma_wait3A_423, %dma_wait3A_438, %dma_wait3A_439] : memref<3x128x128xf32, #tpu.memory_space<vmem>> -> memref<1x128x128xf32, #tpu.memory_space<vmem>>
    %dma_wait3A_441 = tpu.memref_squeeze %dma_wait3A_440 : memref<1x128x128xf32, #tpu.memory_space<vmem>> -> memref<128x128xf32, #tpu.memory_space<vmem>>
    tpu.wait_dma2 semaphore(%dma_wait3A_434 : memref<!tpu.dma_semaphore, #tpu.memory_space<semaphore_mem>>) src(%dma_wait3A_441 : memref<128x128xf32, #tpu.memory_space<vmem>>) dst(%dma_wait3A_437 : memref<128x128xf32, #tpu.memory_space<hbm>>)
    %dma_wait3A_442 = arith.constant 1 : i32
    %dma_wait3A_443 = arith.constant 1 : i32
    %dma_wait3A_444 = arith.constant 1 : i32
    %dma_wait3A_445 = arith.constant 0 : i32
    %dma_wait3A_446 = arith.constant 0 : i32
    %dma_wait3A_447 = tpu.memref_slice %arg8[%dma_wait3A_442, %dma_wait3A_445, %dma_wait3A_446] : memref<3x128x128xf32, #tpu.memory_space<vmem>> -> memref<1x128x128xf32, #tpu.memory_space<vmem>>
    %dma_wait3A_448 = tpu.memref_squeeze %dma_wait3A_447 : memref<1x128x128xf32, #tpu.memory_space<vmem>> -> memref<128x128xf32, #tpu.memory_space<vmem>>
    %dma_wait3A_449 = arith.constant 0 : i32
    %dma_wait3A_450 = tpu.memref_slice %arg5[%mul3A_244, %dma_wait3A_443, %dma_wait3A_449] : memref<16384x2x128xf32, #tpu.memory_space<hbm>> -> memref<128x1x128xf32, #tpu.memory_space<hbm>>
    %dma_wait3A_451 = tpu.memref_squeeze %dma_wait3A_450 : memref<128x1x128xf32, #tpu.memory_space<hbm>> -> memref<128x128xf32, #tpu.memory_space<hbm>>
    %dma_wait3A_452 = tpu.memref_slice %arg10[%dma_wait3A_444] : memref<3x!tpu.dma_semaphore, #tpu.memory_space<semaphore_mem>> -> memref<1x!tpu.dma_semaphore, #tpu.memory_space<semaphore_mem>>
    %dma_wait3A_453 = tpu.memref_squeeze %dma_wait3A_452 : memref<1x!tpu.dma_semaphore, #tpu.memory_space<semaphore_mem>> -> memref<!tpu.dma_semaphore, #tpu.memory_space<semaphore_mem>>
    %dma_wait3A_454 = arith.constant 0 : i32
    %dma_wait3A_455 = tpu.memref_slice %arg5[%mul3A_244, %dma_wait3A_443, %dma_wait3A_454] : memref<16384x2x128xf32, #tpu.memory_space<hbm>> -> memref<128x1x128xf32, #tpu.memory_space<hbm>>
    %dma_wait3A_456 = tpu.memref_squeeze %dma_wait3A_455 : memref<128x1x128xf32, #tpu.memory_space<hbm>> -> memref<128x128xf32, #tpu.memory_space<hbm>>
    %dma_wait3A_457 = arith.constant 0 : i32
    %dma_wait3A_458 = arith.constant 0 : i32
    %dma_wait3A_459 = tpu.memref_slice %arg8[%dma_wait3A_442, %dma_wait3A_457, %dma_wait3A_458] : memref<3x128x128xf32, #tpu.memory_space<vmem>> -> memref<1x128x128xf32, #tpu.memory_space<vmem>>
    %dma_wait3A_460 = tpu.memref_squeeze %dma_wait3A_459 : memref<1x128x128xf32, #tpu.memory_space<vmem>> -> memref<128x128xf32, #tpu.memory_space<vmem>>
    tpu.wait_dma2 semaphore(%dma_wait3A_453 : memref<!tpu.dma_semaphore, #tpu.memory_space<semaphore_mem>>) src(%dma_wait3A_460 : memref<128x128xf32, #tpu.memory_space<vmem>>) dst(%dma_wait3A_456 : memref<128x128xf32, #tpu.memory_space<hbm>>)
    %dma_wait3A_461 = arith.constant 2 : i32
    %dma_wait3A_462 = arith.constant 0 : i32
    %dma_wait3A_463 = arith.constant 2 : i32
    %dma_wait3A_464 = arith.constant 0 : i32
    %dma_wait3A_465 = arith.constant 0 : i32
    %dma_wait3A_466 = tpu.memref_slice %arg7[%dma_wait3A_461, %dma_wait3A_464, %dma_wait3A_465] : memref<3x128x128xf32, #tpu.memory_space<vmem>> -> memref<1x128x128xf32, #tpu.memory_space<vmem>>
    %dma_wait3A_467 = tpu.memref_squeeze %dma_wait3A_466 : memref<1x128x128xf32, #tpu.memory_space<vmem>> -> memref<128x128xf32, #tpu.memory_space<vmem>>
    %dma_wait3A_468 = arith.constant 0 : i32
    %dma_wait3A_469 = tpu.memref_slice %arg5[%mul3A_314, %dma_wait3A_462, %dma_wait3A_468] : memref<16384x2x128xf32, #tpu.memory_space<hbm>> -> memref<128x1x128xf32, #tpu.memory_space<hbm>>
    %dma_wait3A_470 = tpu.memref_squeeze %dma_wait3A_469 : memref<128x1x128xf32, #tpu.memory_space<hbm>> -> memref<128x128xf32, #tpu.memory_space<hbm>>
    %dma_wait3A_471 = tpu.memref_slice %arg10[%dma_wait3A_463] : memref<3x!tpu.dma_semaphore, #tpu.memory_space<semaphore_mem>> -> memref<1x!tpu.dma_semaphore, #tpu.memory_space<semaphore_mem>>
    %dma_wait3A_472 = tpu.memref_squeeze %dma_wait3A_471 : memref<1x!tpu.dma_semaphore, #tpu.memory_space<semaphore_mem>> -> memref<!tpu.dma_semaphore, #tpu.memory_space<semaphore_mem>>
    %dma_wait3A_473 = arith.constant 0 : i32
    %dma_wait3A_474 = tpu.memref_slice %arg5[%mul3A_314, %dma_wait3A_462, %dma_wait3A_473] : memref<16384x2x128xf32, #tpu.memory_space<hbm>> -> memref<128x1x128xf32, #tpu.memory_space<hbm>>
    %dma_wait3A_475 = tpu.memref_squeeze %dma_wait3A_474 : memref<128x1x128xf32, #tpu.memory_space<hbm>> -> memref<128x128xf32, #tpu.memory_space<hbm>>
    %dma_wait3A_476 = arith.constant 0 : i32
    %dma_wait3A_477 = arith.constant 0 : i32
    %dma_wait3A_478 = tpu.memref_slice %arg7[%dma_wait3A_461, %dma_wait3A_476, %dma_wait3A_477] : memref<3x128x128xf32, #tpu.memory_space<vmem>> -> memref<1x128x128xf32, #tpu.memory_space<vmem>>
    %dma_wait3A_479 = tpu.memref_squeeze %dma_wait3A_478 : memref<1x128x128xf32, #tpu.memory_space<vmem>> -> memref<128x128xf32, #tpu.memory_space<vmem>>
    tpu.wait_dma2 semaphore(%dma_wait3A_472 : memref<!tpu.dma_semaphore, #tpu.memory_space<semaphore_mem>>) src(%dma_wait3A_479 : memref<128x128xf32, #tpu.memory_space<vmem>>) dst(%dma_wait3A_475 : memref<128x128xf32, #tpu.memory_space<hbm>>)
    %dma_wait3A_480 = arith.constant 2 : i32
    %dma_wait3A_481 = arith.constant 1 : i32
    %dma_wait3A_482 = arith.constant 2 : i32
    %dma_wait3A_483 = arith.constant 0 : i32
    %dma_wait3A_484 = arith.constant 0 : i32
    %dma_wait3A_485 = tpu.memref_slice %arg8[%dma_wait3A_480, %dma_wait3A_483, %dma_wait3A_484] : memref<3x128x128xf32, #tpu.memory_space<vmem>> -> memref<1x128x128xf32, #tpu.memory_space<vmem>>
    %dma_wait3A_486 = tpu.memref_squeeze %dma_wait3A_485 : memref<1x128x128xf32, #tpu.memory_space<vmem>> -> memref<128x128xf32, #tpu.memory_space<vmem>>
    %dma_wait3A_487 = arith.constant 0 : i32
    %dma_wait3A_488 = tpu.memref_slice %arg5[%mul3A_314, %dma_wait3A_481, %dma_wait3A_487] : memref<16384x2x128xf32, #tpu.memory_space<hbm>> -> memref<128x1x128xf32, #tpu.memory_space<hbm>>
    %dma_wait3A_489 = tpu.memref_squeeze %dma_wait3A_488 : memref<128x1x128xf32, #tpu.memory_space<hbm>> -> memref<128x128xf32, #tpu.memory_space<hbm>>
    %dma_wait3A_490 = tpu.memref_slice %arg10[%dma_wait3A_482] : memref<3x!tpu.dma_semaphore, #tpu.memory_space<semaphore_mem>> -> memref<1x!tpu.dma_semaphore, #tpu.memory_space<semaphore_mem>>
    %dma_wait3A_491 = tpu.memref_squeeze %dma_wait3A_490 : memref<1x!tpu.dma_semaphore, #tpu.memory_space<semaphore_mem>> -> memref<!tpu.dma_semaphore, #tpu.memory_space<semaphore_mem>>
    %dma_wait3A_492 = arith.constant 0 : i32
    %dma_wait3A_493 = tpu.memref_slice %arg5[%mul3A_314, %dma_wait3A_481, %dma_wait3A_492] : memref<16384x2x128xf32, #tpu.memory_space<hbm>> -> memref<128x1x128xf32, #tpu.memory_space<hbm>>
    %dma_wait3A_494 = tpu.memref_squeeze %dma_wait3A_493 : memref<128x1x128xf32, #tpu.memory_space<hbm>> -> memref<128x128xf32, #tpu.memory_space<hbm>>
    %dma_wait3A_495 = arith.constant 0 : i32
    %dma_wait3A_496 = arith.constant 0 : i32
    %dma_wait3A_497 = tpu.memref_slice %arg8[%dma_wait3A_480, %dma_wait3A_495, %dma_wait3A_496] : memref<3x128x128xf32, #tpu.memory_space<vmem>> -> memref<1x128x128xf32, #tpu.memory_space<vmem>>
    %dma_wait3A_498 = tpu.memref_squeeze %dma_wait3A_497 : memref<1x128x128xf32, #tpu.memory_space<vmem>> -> memref<128x128xf32, #tpu.memory_space<vmem>>
    tpu.wait_dma2 semaphore(%dma_wait3A_491 : memref<!tpu.dma_semaphore, #tpu.memory_space<semaphore_mem>>) src(%dma_wait3A_498 : memref<128x128xf32, #tpu.memory_space<vmem>>) dst(%dma_wait3A_494 : memref<128x128xf32, #tpu.memory_space<hbm>>)
    %dma_wait3A_499 = arith.constant 0 : i32
    %dma_wait3A_500 = arith.constant 0 : i32
    %dma_wait3A_501 = arith.constant 0 : i32
    %dma_wait3A_502 = arith.constant 0 : i32
    %dma_wait3A_503 = arith.constant 0 : i32
    %dma_wait3A_504 = tpu.memref_slice %arg7[%dma_wait3A_499, %dma_wait3A_502, %dma_wait3A_503] : memref<3x128x128xf32, #tpu.memory_space<vmem>> -> memref<1x128x128xf32, #tpu.memory_space<vmem>>
    %dma_wait3A_505 = tpu.memref_squeeze %dma_wait3A_504 : memref<1x128x128xf32, #tpu.memory_space<vmem>> -> memref<128x128xf32, #tpu.memory_space<vmem>>
    %dma_wait3A_506 = arith.constant 0 : i32
    %dma_wait3A_507 = tpu.memref_slice %arg5[%mul3A_384, %dma_wait3A_500, %dma_wait3A_506] : memref<16384x2x128xf32, #tpu.memory_space<hbm>> -> memref<128x1x128xf32, #tpu.memory_space<hbm>>
    %dma_wait3A_508 = tpu.memref_squeeze %dma_wait3A_507 : memref<128x1x128xf32, #tpu.memory_space<hbm>> -> memref<128x128xf32, #tpu.memory_space<hbm>>
    %dma_wait3A_509 = tpu.memref_slice %arg10[%dma_wait3A_501] : memref<3x!tpu.dma_semaphore, #tpu.memory_space<semaphore_mem>> -> memref<1x!tpu.dma_semaphore, #tpu.memory_space<semaphore_mem>>
    %dma_wait3A_510 = tpu.memref_squeeze %dma_wait3A_509 : memref<1x!tpu.dma_semaphore, #tpu.memory_space<semaphore_mem>> -> memref<!tpu.dma_semaphore, #tpu.memory_space<semaphore_mem>>
    %dma_wait3A_511 = arith.constant 0 : i32
    %dma_wait3A_512 = tpu.memref_slice %arg5[%mul3A_384, %dma_wait3A_500, %dma_wait3A_511] : memref<16384x2x128xf32, #tpu.memory_space<hbm>> -> memref<128x1x128xf32, #tpu.memory_space<hbm>>
    %dma_wait3A_513 = tpu.memref_squeeze %dma_wait3A_512 : memref<128x1x128xf32, #tpu.memory_space<hbm>> -> memref<128x128xf32, #tpu.memory_space<hbm>>
    %dma_wait3A_514 = arith.constant 0 : i32
    %dma_wait3A_515 = arith.constant 0 : i32
    %dma_wait3A_516 = tpu.memref_slice %arg7[%dma_wait3A_499, %dma_wait3A_514, %dma_wait3A_515] : memref<3x128x128xf32, #tpu.memory_space<vmem>> -> memref<1x128x128xf32, #tpu.memory_space<vmem>>
    %dma_wait3A_517 = tpu.memref_squeeze %dma_wait3A_516 : memref<1x128x128xf32, #tpu.memory_space<vmem>> -> memref<128x128xf32, #tpu.memory_space<vmem>>
    tpu.wait_dma2 semaphore(%dma_wait3A_510 : memref<!tpu.dma_semaphore, #tpu.memory_space<semaphore_mem>>) src(%dma_wait3A_517 : memref<128x128xf32, #tpu.memory_space<vmem>>) dst(%dma_wait3A_513 : memref<128x128xf32, #tpu.memory_space<hbm>>)
    %dma_wait3A_518 = arith.constant 0 : i32
    %dma_wait3A_519 = arith.constant 1 : i32
    %dma_wait3A_520 = arith.constant 0 : i32
    %dma_wait3A_521 = arith.constant 0 : i32
    %dma_wait3A_522 = arith.constant 0 : i32
    %dma_wait3A_523 = tpu.memref_slice %arg8[%dma_wait3A_518, %dma_wait3A_521, %dma_wait3A_522] : memref<3x128x128xf32, #tpu.memory_space<vmem>> -> memref<1x128x128xf32, #tpu.memory_space<vmem>>
    %dma_wait3A_524 = tpu.memref_squeeze %dma_wait3A_523 : memref<1x128x128xf32, #tpu.memory_space<vmem>> -> memref<128x128xf32, #tpu.memory_space<vmem>>
    %dma_wait3A_525 = arith.constant 0 : i32
    %dma_wait3A_526 = tpu.memref_slice %arg5[%mul3A_384, %dma_wait3A_519, %dma_wait3A_525] : memref<16384x2x128xf32, #tpu.memory_space<hbm>> -> memref<128x1x128xf32, #tpu.memory_space<hbm>>
    %dma_wait3A_527 = tpu.memref_squeeze %dma_wait3A_526 : memref<128x1x128xf32, #tpu.memory_space<hbm>> -> memref<128x128xf32, #tpu.memory_space<hbm>>
    %dma_wait3A_528 = tpu.memref_slice %arg10[%dma_wait3A_520] : memref<3x!tpu.dma_semaphore, #tpu.memory_space<semaphore_mem>> -> memref<1x!tpu.dma_semaphore, #tpu.memory_space<semaphore_mem>>
    %dma_wait3A_529 = tpu.memref_squeeze %dma_wait3A_528 : memref<1x!tpu.dma_semaphore, #tpu.memory_space<semaphore_mem>> -> memref<!tpu.dma_semaphore, #tpu.memory_space<semaphore_mem>>
    %dma_wait3A_530 = arith.constant 0 : i32
    %dma_wait3A_531 = tpu.memref_slice %arg5[%mul3A_384, %dma_wait3A_519, %dma_wait3A_530] : memref<16384x2x128xf32, #tpu.memory_space<hbm>> -> memref<128x1x128xf32, #tpu.memory_space<hbm>>
    %dma_wait3A_532 = tpu.memref_squeeze %dma_wait3A_531 : memref<128x1x128xf32, #tpu.memory_space<hbm>> -> memref<128x128xf32, #tpu.memory_space<hbm>>
    %dma_wait3A_533 = arith.constant 0 : i32
    %dma_wait3A_534 = arith.constant 0 : i32
    %dma_wait3A_535 = tpu.memref_slice %arg8[%dma_wait3A_518, %dma_wait3A_533, %dma_wait3A_534] : memref<3x128x128xf32, #tpu.memory_space<vmem>> -> memref<1x128x128xf32, #tpu.memory_space<vmem>>
    %dma_wait3A_536 = tpu.memref_squeeze %dma_wait3A_535 : memref<1x128x128xf32, #tpu.memory_space<vmem>> -> memref<128x128xf32, #tpu.memory_space<vmem>>
    tpu.wait_dma2 semaphore(%dma_wait3A_529 : memref<!tpu.dma_semaphore, #tpu.memory_space<semaphore_mem>>) src(%dma_wait3A_536 : memref<128x128xf32, #tpu.memory_space<vmem>>) dst(%dma_wait3A_532 : memref<128x128xf32, #tpu.memory_space<hbm>>)
    return
  }
}

module attributes {stable_mosaic.version = 14 : i64} {
  func.func @_mlp_body(%arg0: i32, %arg1: memref<16384x2x128xf32, #tpu.memory_space<hbm>>, %arg2: memref<256x128xf32, #tpu.memory_space<vmem>>, %arg3: memref<1x128xf32, #tpu.memory_space<vmem>>, %arg4: memref<128x128xf32, #tpu.memory_space<vmem>>, %arg5: memref<1x128xf32, #tpu.memory_space<vmem>>, %arg6: memref<2048x128xf32, #tpu.memory_space<vmem>>, %arg7: memref<2x2048x128xf32, #tpu.memory_space<vmem>>, %arg8: memref<2x2048x128xf32, #tpu.memory_space<vmem>>, %arg9: memref<2x!tpu.dma_semaphore, #tpu.memory_space<semaphore_mem>>, %arg10: memref<2x!tpu.dma_semaphore, #tpu.memory_space<semaphore_mem>>) attributes {dimension_semantics = [#tpu.dimension_semantics<arbitrary>], iteration_bounds = array<i64: 8>, scalar_prefetch = 0 : i64, scratch_operands = 4 : i64, tpu.core_type = #tpu.core_type<tc>, window_params = [{}, {pipeline_mode = #tpu.pipeline_mode<synchronous>, transform_indices = @transform_1, window_bounds = array<i64: 256, 128>}, {pipeline_mode = #tpu.pipeline_mode<synchronous>, transform_indices = @transform_2, window_bounds = array<i64: 1, 128>}, {pipeline_mode = #tpu.pipeline_mode<synchronous>, transform_indices = @transform_3, window_bounds = array<i64: 128, 128>}, {pipeline_mode = #tpu.pipeline_mode<synchronous>, transform_indices = @transform_4, window_bounds = array<i64: 1, 128>}, {transform_indices = @transform_5, window_bounds = array<i64: 2048, 128>}]} {
    %rem3A = arith.constant 2 : i32
    %rem3A_0 = arith.remsi %arg0, %rem3A : i32
    %eq3A = arith.constant 0 : i32
    %eq3A_1 = arith.cmpi eq, %arg0, %eq3A : i32
    %convert_element_type3A = arith.extui %eq3A_1 : i1 to i32
    %cond3A = arith.constant 0 : i32
    %cond3A_2 = arith.cmpi ne, %convert_element_type3A, %cond3A : i32
    scf.if %cond3A_2 {
      %add3A_74 = arith.constant 0 : i32
      %add3A_75 = arith.addi %arg0, %add3A_74 : i32
      %add3A_76 = arith.constant 0 : i32
      %add3A_77 = arith.addi %arg0, %add3A_76 : i32
      %rem3A_78 = arith.constant 2 : i32
      %rem3A_79 = arith.remsi %add3A_77, %rem3A_78 : i32
      %mul3A_80 = arith.constant 2048 : i32
      %mul3A_81 = arith.muli %add3A_75, %mul3A_80 : i32
      %dma_start3A = arith.constant 0 : i32
      %dma_start3A_82 = tpu.memref_slice %arg9[%rem3A_79] : memref<2x!tpu.dma_semaphore, #tpu.memory_space<semaphore_mem>> -> memref<1x!tpu.dma_semaphore, #tpu.memory_space<semaphore_mem>>
      %dma_start3A_83 = tpu.memref_squeeze %dma_start3A_82 : memref<1x!tpu.dma_semaphore, #tpu.memory_space<semaphore_mem>> -> memref<!tpu.dma_semaphore, #tpu.memory_space<semaphore_mem>>
      %dma_start3A_84 = arith.constant 0 : i32
      %dma_start3A_85 = arith.constant 0 : i32
      %dma_start3A_86 = tpu.memref_slice %arg7[%rem3A_79, %dma_start3A_84, %dma_start3A_85] : memref<2x2048x128xf32, #tpu.memory_space<vmem>> -> memref<1x2048x128xf32, #tpu.memory_space<vmem>>
      %dma_start3A_87 = tpu.memref_squeeze %dma_start3A_86 : memref<1x2048x128xf32, #tpu.memory_space<vmem>> -> memref<2048x128xf32, #tpu.memory_space<vmem>>
      %dma_start3A_88 = arith.constant 0 : i32
      %dma_start3A_89 = tpu.memref_slice %arg1[%mul3A_81, %dma_start3A, %dma_start3A_88] : memref<16384x2x128xf32, #tpu.memory_space<hbm>> -> memref<2048x1x128xf32, #tpu.memory_space<hbm>>
      %dma_start3A_90 = tpu.memref_squeeze %dma_start3A_89 : memref<2048x1x128xf32, #tpu.memory_space<hbm>> -> memref<2048x128xf32, #tpu.memory_space<hbm>>
      tpu.enqueue_dma source(%dma_start3A_90 : memref<2048x128xf32, #tpu.memory_space<hbm>>) target(%dma_start3A_87 : memref<2048x128xf32, #tpu.memory_space<vmem>>) target_semaphore(%dma_start3A_83 : memref<!tpu.dma_semaphore, #tpu.memory_space<semaphore_mem>>)
      %dma_start3A_91 = arith.constant 1 : i32
      %dma_start3A_92 = tpu.memref_slice %arg10[%rem3A_79] : memref<2x!tpu.dma_semaphore, #tpu.memory_space<semaphore_mem>> -> memref<1x!tpu.dma_semaphore, #tpu.memory_space<semaphore_mem>>
      %dma_start3A_93 = tpu.memref_squeeze %dma_start3A_92 : memref<1x!tpu.dma_semaphore, #tpu.memory_space<semaphore_mem>> -> memref<!tpu.dma_semaphore, #tpu.memory_space<semaphore_mem>>
      %dma_start3A_94 = arith.constant 0 : i32
      %dma_start3A_95 = arith.constant 0 : i32
      %dma_start3A_96 = tpu.memref_slice %arg8[%rem3A_79, %dma_start3A_94, %dma_start3A_95] : memref<2x2048x128xf32, #tpu.memory_space<vmem>> -> memref<1x2048x128xf32, #tpu.memory_space<vmem>>
      %dma_start3A_97 = tpu.memref_squeeze %dma_start3A_96 : memref<1x2048x128xf32, #tpu.memory_space<vmem>> -> memref<2048x128xf32, #tpu.memory_space<vmem>>
      %dma_start3A_98 = arith.constant 0 : i32
      %dma_start3A_99 = tpu.memref_slice %arg1[%mul3A_81, %dma_start3A_91, %dma_start3A_98] : memref<16384x2x128xf32, #tpu.memory_space<hbm>> -> memref<2048x1x128xf32, #tpu.memory_space<hbm>>
      %dma_start3A_100 = tpu.memref_squeeze %dma_start3A_99 : memref<2048x1x128xf32, #tpu.memory_space<hbm>> -> memref<2048x128xf32, #tpu.memory_space<hbm>>
      tpu.enqueue_dma source(%dma_start3A_100 : memref<2048x128xf32, #tpu.memory_space<hbm>>) target(%dma_start3A_97 : memref<2048x128xf32, #tpu.memory_space<vmem>>) target_semaphore(%dma_start3A_93 : memref<!tpu.dma_semaphore, #tpu.memory_space<semaphore_mem>>)
    } else {
    }
    %add3A = arith.constant 2 : i32
    %add3A_3 = arith.addi %arg0, %add3A : i32
    %sub3A = arith.constant 1 : i32
    %sub3A_4 = arith.subi %add3A_3, %sub3A : i32
    %lt3A = arith.constant 8 : i32
    %lt3A_5 = arith.cmpi slt, %sub3A_4, %lt3A : i32
    %convert_element_type3A_6 = arith.extui %lt3A_5 : i1 to i32
    %cond3A_7 = arith.constant 0 : i32
    %cond3A_8 = arith.cmpi ne, %convert_element_type3A_6, %cond3A_7 : i32
    scf.if %cond3A_8 {
      %add3A_74 = arith.constant 2 : i32
      %add3A_75 = arith.addi %arg0, %add3A_74 : i32
      %sub3A_76 = arith.constant 1 : i32
      %sub3A_77 = arith.subi %add3A_75, %sub3A_76 : i32
      %add3A_78 = arith.constant 2 : i32
      %add3A_79 = arith.addi %arg0, %add3A_78 : i32
      %sub3A_80 = arith.constant 1 : i32
      %sub3A_81 = arith.subi %add3A_79, %sub3A_80 : i32
      %rem3A_82 = arith.constant 2 : i32
      %rem3A_83 = arith.remsi %sub3A_81, %rem3A_82 : i32
      %mul3A_84 = arith.constant 2048 : i32
      %mul3A_85 = arith.muli %sub3A_77, %mul3A_84 : i32
      %dma_start3A = arith.constant 0 : i32
      %dma_start3A_86 = tpu.memref_slice %arg9[%rem3A_83] : memref<2x!tpu.dma_semaphore, #tpu.memory_space<semaphore_mem>> -> memref<1x!tpu.dma_semaphore, #tpu.memory_space<semaphore_mem>>
      %dma_start3A_87 = tpu.memref_squeeze %dma_start3A_86 : memref<1x!tpu.dma_semaphore, #tpu.memory_space<semaphore_mem>> -> memref<!tpu.dma_semaphore, #tpu.memory_space<semaphore_mem>>
      %dma_start3A_88 = arith.constant 0 : i32
      %dma_start3A_89 = arith.constant 0 : i32
      %dma_start3A_90 = tpu.memref_slice %arg7[%rem3A_83, %dma_start3A_88, %dma_start3A_89] : memref<2x2048x128xf32, #tpu.memory_space<vmem>> -> memref<1x2048x128xf32, #tpu.memory_space<vmem>>
      %dma_start3A_91 = tpu.memref_squeeze %dma_start3A_90 : memref<1x2048x128xf32, #tpu.memory_space<vmem>> -> memref<2048x128xf32, #tpu.memory_space<vmem>>
      %dma_start3A_92 = arith.constant 0 : i32
      %dma_start3A_93 = tpu.memref_slice %arg1[%mul3A_85, %dma_start3A, %dma_start3A_92] : memref<16384x2x128xf32, #tpu.memory_space<hbm>> -> memref<2048x1x128xf32, #tpu.memory_space<hbm>>
      %dma_start3A_94 = tpu.memref_squeeze %dma_start3A_93 : memref<2048x1x128xf32, #tpu.memory_space<hbm>> -> memref<2048x128xf32, #tpu.memory_space<hbm>>
      tpu.enqueue_dma source(%dma_start3A_94 : memref<2048x128xf32, #tpu.memory_space<hbm>>) target(%dma_start3A_91 : memref<2048x128xf32, #tpu.memory_space<vmem>>) target_semaphore(%dma_start3A_87 : memref<!tpu.dma_semaphore, #tpu.memory_space<semaphore_mem>>)
      %dma_start3A_95 = arith.constant 1 : i32
      %dma_start3A_96 = tpu.memref_slice %arg10[%rem3A_83] : memref<2x!tpu.dma_semaphore, #tpu.memory_space<semaphore_mem>> -> memref<1x!tpu.dma_semaphore, #tpu.memory_space<semaphore_mem>>
      %dma_start3A_97 = tpu.memref_squeeze %dma_start3A_96 : memref<1x!tpu.dma_semaphore, #tpu.memory_space<semaphore_mem>> -> memref<!tpu.dma_semaphore, #tpu.memory_space<semaphore_mem>>
      %dma_start3A_98 = arith.constant 0 : i32
      %dma_start3A_99 = arith.constant 0 : i32
      %dma_start3A_100 = tpu.memref_slice %arg8[%rem3A_83, %dma_start3A_98, %dma_start3A_99] : memref<2x2048x128xf32, #tpu.memory_space<vmem>> -> memref<1x2048x128xf32, #tpu.memory_space<vmem>>
      %dma_start3A_101 = tpu.memref_squeeze %dma_start3A_100 : memref<1x2048x128xf32, #tpu.memory_space<vmem>> -> memref<2048x128xf32, #tpu.memory_space<vmem>>
      %dma_start3A_102 = arith.constant 0 : i32
      %dma_start3A_103 = tpu.memref_slice %arg1[%mul3A_85, %dma_start3A_95, %dma_start3A_102] : memref<16384x2x128xf32, #tpu.memory_space<hbm>> -> memref<2048x1x128xf32, #tpu.memory_space<hbm>>
      %dma_start3A_104 = tpu.memref_squeeze %dma_start3A_103 : memref<2048x1x128xf32, #tpu.memory_space<hbm>> -> memref<2048x128xf32, #tpu.memory_space<hbm>>
      tpu.enqueue_dma source(%dma_start3A_104 : memref<2048x128xf32, #tpu.memory_space<hbm>>) target(%dma_start3A_101 : memref<2048x128xf32, #tpu.memory_space<vmem>>) target_semaphore(%dma_start3A_97 : memref<!tpu.dma_semaphore, #tpu.memory_space<semaphore_mem>>)
    } else {
    }
    %mul3A = arith.constant 2048 : i32
    %mul3A_9 = arith.muli %arg0, %mul3A : i32
    %dma_wait3A = arith.constant 0 : i32
    %dma_wait3A_10 = tpu.memref_slice %arg9[%rem3A_0] : memref<2x!tpu.dma_semaphore, #tpu.memory_space<semaphore_mem>> -> memref<1x!tpu.dma_semaphore, #tpu.memory_space<semaphore_mem>>
    %dma_wait3A_11 = tpu.memref_squeeze %dma_wait3A_10 : memref<1x!tpu.dma_semaphore, #tpu.memory_space<semaphore_mem>> -> memref<!tpu.dma_semaphore, #tpu.memory_space<semaphore_mem>>
    %dma_wait3A_12 = arith.constant 0 : i32
    %dma_wait3A_13 = arith.constant 0 : i32
    %dma_wait3A_14 = tpu.memref_slice %arg7[%rem3A_0, %dma_wait3A_12, %dma_wait3A_13] : memref<2x2048x128xf32, #tpu.memory_space<vmem>> -> memref<1x2048x128xf32, #tpu.memory_space<vmem>>
    %dma_wait3A_15 = tpu.memref_squeeze %dma_wait3A_14 : memref<1x2048x128xf32, #tpu.memory_space<vmem>> -> memref<2048x128xf32, #tpu.memory_space<vmem>>
    %dma_wait3A_16 = arith.constant 0 : i32
    %dma_wait3A_17 = tpu.memref_slice %arg1[%mul3A_9, %dma_wait3A, %dma_wait3A_16] : memref<16384x2x128xf32, #tpu.memory_space<hbm>> -> memref<2048x1x128xf32, #tpu.memory_space<hbm>>
    %dma_wait3A_18 = tpu.memref_squeeze %dma_wait3A_17 : memref<2048x1x128xf32, #tpu.memory_space<hbm>> -> memref<2048x128xf32, #tpu.memory_space<hbm>>
    tpu.wait_dma2 semaphore(%dma_wait3A_11 : memref<!tpu.dma_semaphore, #tpu.memory_space<semaphore_mem>>) src(%dma_wait3A_18 : memref<2048x128xf32, #tpu.memory_space<hbm>>) dst(%dma_wait3A_15 : memref<2048x128xf32, #tpu.memory_space<vmem>>)
    %dma_wait3A_19 = arith.constant 1 : i32
    %dma_wait3A_20 = tpu.memref_slice %arg10[%rem3A_0] : memref<2x!tpu.dma_semaphore, #tpu.memory_space<semaphore_mem>> -> memref<1x!tpu.dma_semaphore, #tpu.memory_space<semaphore_mem>>
    %dma_wait3A_21 = tpu.memref_squeeze %dma_wait3A_20 : memref<1x!tpu.dma_semaphore, #tpu.memory_space<semaphore_mem>> -> memref<!tpu.dma_semaphore, #tpu.memory_space<semaphore_mem>>
    %dma_wait3A_22 = arith.constant 0 : i32
    %dma_wait3A_23 = arith.constant 0 : i32
    %dma_wait3A_24 = tpu.memref_slice %arg8[%rem3A_0, %dma_wait3A_22, %dma_wait3A_23] : memref<2x2048x128xf32, #tpu.memory_space<vmem>> -> memref<1x2048x128xf32, #tpu.memory_space<vmem>>
    %dma_wait3A_25 = tpu.memref_squeeze %dma_wait3A_24 : memref<1x2048x128xf32, #tpu.memory_space<vmem>> -> memref<2048x128xf32, #tpu.memory_space<vmem>>
    %dma_wait3A_26 = arith.constant 0 : i32
    %dma_wait3A_27 = tpu.memref_slice %arg1[%mul3A_9, %dma_wait3A_19, %dma_wait3A_26] : memref<16384x2x128xf32, #tpu.memory_space<hbm>> -> memref<2048x1x128xf32, #tpu.memory_space<hbm>>
    %dma_wait3A_28 = tpu.memref_squeeze %dma_wait3A_27 : memref<2048x1x128xf32, #tpu.memory_space<hbm>> -> memref<2048x128xf32, #tpu.memory_space<hbm>>
    tpu.wait_dma2 semaphore(%dma_wait3A_21 : memref<!tpu.dma_semaphore, #tpu.memory_space<semaphore_mem>>) src(%dma_wait3A_28 : memref<2048x128xf32, #tpu.memory_space<hbm>>) dst(%dma_wait3A_25 : memref<2048x128xf32, #tpu.memory_space<vmem>>)
    %get3A = arith.index_cast %rem3A_0 : i32 to index
    %get3A_29 = arith.constant 0 : index
    %get3A_30 = arith.constant 0 : index
    %get3A_31 = vector.load %arg7[%get3A, %get3A_29, %get3A_30] : memref<2x2048x128xf32, #tpu.memory_space<vmem>>, vector<1x2048x128xf32>
    %get3A_32 = vector.shape_cast %get3A_31 : vector<1x2048x128xf32> to vector<2048x128xf32>
    %get3A_33 = arith.index_cast %rem3A_0 : i32 to index
    %get3A_34 = arith.constant 0 : index
    %get3A_35 = arith.constant 0 : index
    %get3A_36 = vector.load %arg8[%get3A_33, %get3A_34, %get3A_35] : memref<2x2048x128xf32, #tpu.memory_space<vmem>>, vector<1x2048x128xf32>
    %get3A_37 = vector.shape_cast %get3A_36 : vector<1x2048x128xf32> to vector<2048x128xf32>
    %get3A_38 = arith.constant 0 : index
    %get3A_39 = arith.constant 0 : index
    %get3A_40 = vector.load %arg2[%get3A_38, %get3A_39] : memref<256x128xf32, #tpu.memory_space<vmem>>, vector<128x128xf32>
    %get3A_41 = arith.constant 128 : index
    %get3A_42 = arith.constant 0 : index
    %get3A_43 = vector.load %arg2[%get3A_41, %get3A_42] : memref<256x128xf32, #tpu.memory_space<vmem>>, vector<128x128xf32>
    %dot_general3A = arith.constant dense<0.000000e+00> : vector<2048x128xf32>
    %dot_general3A_44 = tpu.matmul %get3A_32, %get3A_40, %dot_general3A {dimension_numbers = #tpu.dot_dimension_numbers<[1], [0], [0], [1], [0, 0, 1, 1], [], []>, transpose_lhs_hint = false} : vector<2048x128xf32>, vector<128x128xf32>, vector<2048x128xf32> -> vector<2048x128xf32>
    %dot_general3A_45 = arith.constant dense<0.000000e+00> : vector<2048x128xf32>
    %dot_general3A_46 = tpu.matmul %get3A_37, %get3A_43, %dot_general3A_45 {dimension_numbers = #tpu.dot_dimension_numbers<[1], [0], [0], [1], [0, 0, 1, 1], [], []>, transpose_lhs_hint = false} : vector<2048x128xf32>, vector<128x128xf32>, vector<2048x128xf32> -> vector<2048x128xf32>
    %add3A_47 = arith.addf %dot_general3A_44, %dot_general3A_46 : vector<2048x128xf32>
    %get3A_48 = arith.constant 0 : index
    %get3A_49 = arith.constant 0 : index
    %get3A_50 = vector.load %arg3[%get3A_48, %get3A_49] : memref<1x128xf32, #tpu.memory_space<vmem>>, vector<1x128xf32>
    %get3A_51 = vector.shape_cast %get3A_50 : vector<1x128xf32> to vector<128xf32>
    %broadcast_in_dim3A = vector.shape_cast %get3A_51 : vector<128xf32> to vector<1x128xf32>
    %add3A_52 = vector.broadcast %broadcast_in_dim3A : vector<1x128xf32> to vector<2048x128xf32>
    %add3A_53 = arith.addf %add3A_47, %add3A_52 : vector<2048x128xf32>
    %logistic3A = arith.negf %add3A_53 : vector<2048x128xf32>
    %logistic3A_54 = math.exp %logistic3A : vector<2048x128xf32>
    %logistic3A_55 = arith.constant 1.000000e+00 : f32
    %logistic3A_56 = vector.broadcast %logistic3A_55 : f32 to vector<2048x128xf32>
    %logistic3A_57 = arith.addf %logistic3A_56, %logistic3A_54 : vector<2048x128xf32>
    %logistic3A_58 = arith.divf %logistic3A_56, %logistic3A_57 : vector<2048x128xf32>
    %mul3A_59 = arith.mulf %add3A_53, %logistic3A_58 : vector<2048x128xf32>
    %get3A_60 = arith.constant 0 : index
    %get3A_61 = arith.constant 0 : index
    %get3A_62 = vector.load %arg4[%get3A_60, %get3A_61] : memref<128x128xf32, #tpu.memory_space<vmem>>, vector<128x128xf32>
    %dot_general3A_63 = arith.constant dense<0.000000e+00> : vector<2048x128xf32>
    %dot_general3A_64 = tpu.matmul %mul3A_59, %get3A_62, %dot_general3A_63 {dimension_numbers = #tpu.dot_dimension_numbers<[1], [0], [0], [1], [0, 0, 1, 1], [], []>, transpose_lhs_hint = false} : vector<2048x128xf32>, vector<128x128xf32>, vector<2048x128xf32> -> vector<2048x128xf32>
    %get3A_65 = arith.constant 0 : index
    %get3A_66 = arith.constant 0 : index
    %get3A_67 = vector.load %arg5[%get3A_65, %get3A_66] : memref<1x128xf32, #tpu.memory_space<vmem>>, vector<1x128xf32>
    %get3A_68 = vector.shape_cast %get3A_67 : vector<1x128xf32> to vector<128xf32>
    %broadcast_in_dim3A_69 = vector.shape_cast %get3A_68 : vector<128xf32> to vector<1x128xf32>
    %add3A_70 = vector.broadcast %broadcast_in_dim3A_69 : vector<1x128xf32> to vector<2048x128xf32>
    %add3A_71 = arith.addf %dot_general3A_64, %add3A_70 : vector<2048x128xf32>
    %swap3A = arith.constant 0 : index
    %swap3A_72 = arith.constant 0 : index
    %swap3A_73 = vector.load %arg6[%swap3A, %swap3A_72] : memref<2048x128xf32, #tpu.memory_space<vmem>>, vector<2048x128xf32>
    tpu.vector_store %arg6[%swap3A, %swap3A_72], %add3A_71 {strides = array<i32>} : memref<2048x128xf32, #tpu.memory_space<vmem>>, vector<2048x128xf32>,
    return
  }
  func.func @transform_1(%arg0: i32) -> (i32, i32) {
    %c0_i32 = arith.constant 0 : i32
    %c0_i32_0 = arith.constant 0 : i32
    %c0_i32_1 = arith.constant 0 : i32
    return %c0_i32, %c0_i32_0 : i32, i32
  }
  func.func @transform_2(%arg0: i32) -> (i32, i32) {
    %c0_i32 = arith.constant 0 : i32
    %c0_i32_0 = arith.constant 0 : i32
    %c0_i32_1 = arith.constant 0 : i32
    return %c0_i32, %c0_i32_0 : i32, i32
  }
  func.func @transform_3(%arg0: i32) -> (i32, i32) {
    %c0_i32 = arith.constant 0 : i32
    %c0_i32_0 = arith.constant 0 : i32
    %c0_i32_1 = arith.constant 0 : i32
    return %c0_i32, %c0_i32_0 : i32, i32
  }
  func.func @transform_4(%arg0: i32) -> (i32, i32) {
    %c0_i32 = arith.constant 0 : i32
    %c0_i32_0 = arith.constant 0 : i32
    %c0_i32_1 = arith.constant 0 : i32
    return %c0_i32, %c0_i32_0 : i32, i32
  }
  func.func @transform_5(%arg0: i32) -> (i32, i32) {
    %c0_i32 = arith.constant 0 : i32
    %c0_i32_0 = arith.constant 0 : i32
    return %arg0, %c0_i32 : i32, i32
  }
}

</mosaic_0001>

<sc_bundles>
// kernel: kernel.4.cloned.1.call-start
scs
__scs_entry_jumppad:
0x0: {  	(pc) =	sbr.rel $0x88, $3  }
0x1: {  	(tag) =	ssettag $0x0;
	lr =	simm.s32 $0x1  }
0x2: {  	[smem:$0x3F9A] =	sst lr;
	_ =	strace $0xD0000000  }
0x3: {  	_ = 	snop  }
0x4: {  	_ = 	snop  }
0x5: {  	_ = 	snop  }
0x6: {  	_ = 	snop  }
0x7: {  	_ = 	snop  }
__scs_overlays_trampoline_lowered:
0x8: {  	[smem:$0x3FA9] =	sst s0  }
0x9: {  	[smem:$0x3FAA] =	sst s1  }
0xa: {  	[smem:$0x3FAB] =	sst s2  }
0xb: {  	[smem:$0x3FAC] =	sst s3  }
0xc: {  	[smem:$0x3FAD] =	sst s4  }
0xd: {  	[smem:$0x3FAE] =	sst s5  }
0xe: {  	[smem:$0x3FAF] =	sst s6  }
0xf: {  	[smem:$0x3FB0] =	sst s7  }
0x10: {  	[smem:$0x3FB1] =	sst s8  }
0x11: {  	[smem:$0x3FB2] =	sst s9;
	s0 =	simm.s32 @!p0 $0x0  }
0x12: {  	s1 =	sld [smem:$0x3F98];
	s0 =	simm.s32 @p0 $0x1  }
0x13: {  	[smem:$0x3FB3] =	sst s0;
	s0 =	simm.s32 @!p1 $0x0  }
0x14: {  	s2 =	sld [smem:$0x3F97];
	s0 =	simm.s32 @p1 $0x1  }
0x15: {  	[smem:$0x3FB4] =	sst s0;
	s0 =	simm.s32 @!p2 $0x0  }
0x16: {  	s3 =	sld [smem:$0x3FDB];
	s0 =	simm.s32 @p2 $0x1  }
0x17: {  	s4 =	simm.s32 $0x1BF5;
	[smem:$0x3FB6] =	sst s0  }
0x18: {  	s0 =	sld [smem:$0x3F99];
	_ =	swait.ge [sflag:s4], $0x0  }
0x19: {  	s7 =	sld [smem:$0x3F9A]  }
0x1a: {  	s8 =	sadd.s32 $0xFFFFE003, lr  }
0x1b: {  	s9 =	sadd.s32 $0xFFFFFEF7, lr;
	s5 =	simm.s32 $0xFFFFFFFF;
	p2 =	slt.u32 s8, $0xFFFFF086  }
0x1c: {  	p1 =	slt.u32 s9, $0xF7A;
	s5 =	simm.s32 @!p2 $0x0  }
0x1d: {  	s5 =	simm.s32 @p1 $0x1;
	p0 =	seq.s32 s7, s2  }
0x1e: {  	s7 =	smul.u32 @!p0 $0xF7A, s2;
	p2 =	seq.s32 @!p0 s5, $0x0  }
0x1f: {  	s9 =	smul.u32 $0xF7A, s1;
	s8 =	simm.s32 @!p0 $0x1BF5;
	p2 =	por !p2, p0  }
0x20: {  	[sflag:s8] =	ssyncset.s32 @!p0 $0xFFFFF086;
	s6 =	sadd.s32 @!p0 s3, s7;
	s7 =	simm.s32 @!p0 $0x108  }
0x21: {  	s3 =	sadd.s32 s3, s9;
	s6 =	sadd.s32 @!p0 $0x88, s6;
	s7 =	simm.s32 @p2 $0x1082  }
0x22: {  	[simem:s7], [sflag:s8] =	dma.local @!p0 [hbm:s6], $0xF7A  }
0x23: {  	s9 =	sor.u32 $0xD0000000, s2;
	s6 =	simm.s32 $0x108;
	_ =	swait.ge @!p0 [sflag:s8], $0x0  }
0x24: {  	s3 =	sadd.s32 $0x88, s3;
	s6 =	simm.s32 @!p1 $0x1082;
	[sflag:s4] =	ssyncset.s32 $0xFFFFF086  }
0x25: {  	[simem:s6], [sflag:s4] =	dma.local [hbm:s3], $0xF7A  }
0x26: {  	[smem:$0x3F9A] =	sst s1;
	(tag) =	ssettag s2;
	_ =	strace s9  }
0x27: {  	s1 =	sld [smem:$0x3FAA]  }
0x28: {  	s2 =	sld [smem:$0x3FAB]  }
0x29: {  	s4 =	sld [smem:$0x3FAD]  }
0x2a: {  	p0 =	seq.s32 s5, $0x0;
	s5 =	sld [smem:$0x3FAE]  }
0x2b: {  	s6 =	sld [smem:$0x3FAF]  }
0x2c: {  	s7 =	sld [smem:$0x3FB0]  }
0x2d: {  	s3 =	simm.s32 $0x108;
	s8 =	sld [smem:$0x3FB1]  }
0x2e: {  	s3 =	simm.s32 @!p0 $0x1082;
	s9 =	sld [smem:$0x3FB2]  }
0x2f: {  	lr =	sadd.s32 s0, s3;
	s0 =	sld [smem:$0x3FA9]  }
0x30: {  	s3 =	sld [smem:$0x3FAC]  }
0x31: {  	[smem:$0x3FB5] =	sst s10  }
0x32: {  	s10 =	sld [smem:$0x3FB3];
	_ =	sdelay $0x3  }
0x33: {  	p0 =	seq.s32 s10, $0x1;
	s10 =	sld [smem:$0x3FB5];
	_ =	sdelay $0x3  }
0x34: {  	[smem:$0x3FB5] =	sst s10  }
0x35: {  	s10 =	sld [smem:$0x3FB4];
	_ =	sdelay $0x3  }
0x36: {  	p1 =	seq.s32 s10, $0x1;
	s10 =	sld [smem:$0x3FB5];
	_ =	sdelay $0x3  }
0x37: {  	[smem:$0x3FB5] =	sst s10  }
0x38: {  	s10 =	sld [smem:$0x3FB6]  }
0x39: {  	_ = 	snop;
	(pc) =	sbr.ind lr, $3  }
0x3a: {  	_ = 	snop  }
0x3b: {  	_ = 	snop  }
0x3c: {  	p2 =	seq.s32 s10, $0x1;
	s10 =	sld [smem:$0x3FB5]  }
0x3d: {  	_ =	shalt  }
0x3e: {  	_ =	shalt  }
0x3f: {  	_ =	shalt  }
0x40: {  	_ =	shalt  }
0x41: {  	_ =	shalt  }
0x42: {  	_ =	shalt  }
0x43: {  	_ =	shalt  }
0x44: {  	_ =	shalt  }
0x45: {  	_ =	shalt  }
0x46: {  	_ =	shalt  }
0x47: {  	_ =	shalt  }
0x48: {  	_ =	shalt  }
0x49: {  	_ =	shalt  }
0x4a: {  	_ =	shalt  }
0x4b: {  	_ =	shalt  }
0x4c: {  	_ =	shalt  }
0x4d: {  	_ =	shalt  }
0x4e: {  	_ =	shalt  }
0x4f: {  	_ =	shalt  }
0x50: {  	_ =	shalt  }
0x51: {  	_ =	shalt  }
0x52: {  	_ =	shalt  }
0x53: {  	_ =	shalt  }
0x54: {  	_ =	shalt  }
0x55: {  	_ =	shalt  }
0x56: {  	_ =	shalt  }
0x57: {  	_ =	shalt  }
0x58: {  	_ =	shalt  }
0x59: {  	_ =	shalt  }
0x5a: {  	_ =	shalt  }
0x5b: {  	_ =	shalt  }
0x5c: {  	_ =	shalt  }
0x5d: {  	_ =	shalt  }
0x5e: {  	_ =	shalt  }
0x5f: {  	_ =	shalt  }
0x60: {  	_ =	shalt  }
0x61: {  	_ =	shalt  }
0x62: {  	_ =	shalt  }
0x63: {  	_ =	shalt  }
0x64: {  	_ =	shalt  }
0x65: {  	_ =	shalt  }
0x66: {  	_ =	shalt  }
0x67: {  	_ =	shalt  }
0x68: {  	_ =	shalt  }
0x69: {  	_ =	shalt  }
0x6a: {  	_ =	shalt  }
0x6b: {  	_ =	shalt  }
0x6c: {  	_ =	shalt  }
0x6d: {  	_ =	shalt  }
0x6e: {  	_ =	shalt  }
0x6f: {  	_ =	shalt  }
0x70: {  	_ =	shalt  }
0x71: {  	_ =	shalt  }
0x72: {  	_ =	shalt  }
0x73: {  	_ =	shalt  }
0x74: {  	_ =	shalt  }
0x75: {  	_ =	shalt  }
0x76: {  	_ =	shalt  }
0x77: {  	_ =	shalt  }
0x78: {  	_ =	shalt  }
0x79: {  	_ =	shalt  }
0x7a: {  	_ =	shalt  }
0x7b: {  	_ =	shalt  }
0x7c: {  	_ =	shalt  }
0x7d: {  	_ =	shalt  }
0x7e: {  	_ =	shalt  }
0x7f: {  	_ =	shalt  }
0x80: {  	_ =	shalt  }
0x81: {  	_ =	shalt  }
0x82: {  	_ =	shalt  }
0x83: {  	_ =	shalt  }
0x84: {  	_ =	shalt  }
0x85: {  	_ =	shalt  }
0x86: {  	_ =	shalt  }
0x87: {  	_ =	shalt  }
.Lfunc_end0:
.L_simem_size_0:
called_computation_lowered:
.L_overlay_start_0:
0x88: {  	s2 =	sld [smem:$0x3FD9]  }
0x89: {  	s3 =	sld [smem:$0x3FFE];
	_ =	sdelay $0x1  }
0x8a: {  	s1 =	srdreg.scid  }
0x8b: {  	s0 =	sand.u32 $0x1, s1  }
0x8c: {  	s15 =	sshll.u32 s0, $0xA;
	s2 =	sadd.s32 s3, s2  }
0x8d: {  	s2 =	sadd.s32 s2, s15  }
0x8e: {  	[smem:$0x3FC1] =	sst s2  }
0x8f: {  	_ = 	snop  }
0x90: {  	s2 =	sld [smem:$0x3FD0]  }
0x91: {  	s16 =	sld [smem:$0x3FC9]  }
0x92: {  	s4 =	sld [smem:$0x3FC8]  }
0x93: {  	s6 =	simm.s32 $0xA;
	s7 =	simm.s32 $0x10;
	s5 =	sld [smem:$0x3FC7]  }
0x94: {  	[smem:s7], [sflag:s6] =	dma.local [hbm:s2], $0x1  }
0x95: {  	_ =	swait.eq [sflag:s6], $0x1  }
0x96: {  	[sflag:s6] =	ssyncset.done $0x0  }
0x97: {  	[sflag:s6] =	ssyncadd.s32 $0xFFFFFFFF  }
0x98: {  	s17 =	sld [smem:$0x10];
	(tm) =	ssettm $0x1  }
0x99: {  	s18 =	sld [smem:$0x3FFB];
	_ =	sdelay $0x3  }
0x9a: {  	_ =	strace s18  }
0x9b: {  	s6 =	sld [smem:$0x3FFC];
	_ =	sdelay $0x3  }
0x9c: {  	_ =	strace s6  }
0x9d: {  	s6 =	sld [smem:$0x3FFD];
	_ =	sdelay $0x3  }
0x9e: {  	_ =	strace s6  }
0x9f: {  	_ =	strace $0x8FFFFFFF  }
0xa0: {  	s19 =	sld [smem:$0x3FDB];
	_ =	sdelay $0x1  }
0xa1: {  	s20 =	simm.s32 $_scs_section_size  }
0xa2: {  	s8 =	simm.s32 $_size__tile_overlayer_lowered;
	s9 =	simm.s32 $_tile_overlayer_lowered  }
0xa3: {  	s23 =	simm.s32 $0x1BFF;
	s22 =	sshll.u32 s9, $0x1;
	s6 =	sadd.s32 s20, s19  }
0xa4: {  	s10 =	simm.s32 $0x0;
	s21 =	sshll.u32 s8, $0x1;
	s8 =	sadd.s32 s22, s6  }
0xa5: {  	[timem:s10], [sflag:s23] =	dma.local [hbm:s8], s21  }
0xa6: {  	_ =	swait.ge [sflag:s23], s21  }
0xa7: {  	s7 =	ssub.s32 $0x0, s21;
	[sflag:s23] =	ssyncset.done $0x0  }
0xa8: {  	[sflag:s23] =	ssyncadd.s32 s7;
	_ =	sdelay $0x1  }
0xa9: {  	s24 =	simm.s32 $0x1B8B  }
0xaa: {  	_ =	swait.ge [sflag:s24], $0x1  }
0xab: {  	[sflag:s24] =	ssyncset.done $0x0  }
0xac: {  	s25 =	simm.s32 $0x1B8E;
	[sflag:s24] =	ssyncadd.s32 $0xFFFFFFFF  }
0xad: {  	s26 =	simm.s32 $execute0_lowered;
	[smem:$0x3FD2] =	sst s25  }
0xae: {  	s7 =	sshll.u32 s26, $0x1;
	_ =	strace $0x80000046;
	[dreg:$0x1] =	wrdreg $0xFFFFFFFF  }
0xaf: {  	s28 =	simm.s32 $_size_execute0_lowered;
	s6 =	sadd.s32 s6, s7;
	[dreg:$0x0] =	wrdreg $0x0  }
0xb0: {  	s7 =	sshll.u32 s28, $0x1;
	[dreg:$0x2] =	wrdreg s6  }
0xb1: {  	[dreg:$0x3] =	wrdreg s7  }
0xb2: {  	[dreg:$0x4] =	wrdreg $0xC0  }
0xb3: {  	_ =	task [dreg:s10], $0x5FFFF  }
0xb4: {  	[dreg:$0x1] =	wrdreg $0xFFFFFFFF  }
0xb5: {  	[dreg:$0x0] =	wrdreg $0x60  }
0xb6: {  	[dreg:$0x2] =	wrdreg s16  }
0xb7: {  	[dreg:$0x3] =	wrdreg s4  }
0xb8: {  	[dreg:$0x4] =	wrdreg s5  }
0xb9: {  	[dreg:$0x5] =	wrdreg s17  }
0xba: {  	[dreg:$0x6] =	wrdreg $0x9  }
0xbb: {  	_ =	task.clear_ibuf [dreg:s10], $0x7FFFF;
	_ =	strace $0x90000046  }
0xbc: {  	s29 =	simm.s32 $0x9;
	_ =	strace $0x80000048  }
0xbd: {  	_ =	swait.ge [sflag:s29], $0x1  }
0xbe: {  	[sflag:s29] =	ssyncadd.s32 $0xFFFFFFFF  }
0xbf: {  	_ =	strace $0x90000048  }
0xc0: {  	_ =	sfence  }
0xc1: {  	s30 =	sld [smem:$0x0];
	_ =	sdelay $0x2  }
0xc2: {  	s31 =	sshll.u32 s1, $0xD;
	s1 =	sshrl.u32 s1, $0x2  }
0xc3: {  	s3 =	sand.u32 $0x4000, s31;
	s1 =	sadd.s32 s1, s30  }
0xc4: {  	s0 =	sor.u32 s3, s0;
	s1 =	sshll.u32 s1, $0x11  }
0xc5: {  	s0 =	sor.u32 s1, s0  }
0xc6: {  	s0 =	sadd.s32 $0x8F2B, s0  }
0xc7: {  	[sflag:s0] =	ssyncadd.remote.s32 $0x1  }
0xc8: {  	_ =	sfence.sel $0xFFFF  }
0xc9: {  	[dreg:$0x0] =	wrdreg $0xFFFFFFFF;
	(pc) =	sbr.abs _section_cstart, $3  }
0xca: {  	[dreg:$0x1] =	wrdreg $0xFFFFFFFF  }
0xcb: {  	_ =	task.clear_ibuf [dreg:s10], $0x2FFFF;
	_ =	strace $0x9FFFFFFF  }
0xcc: {  	(tm) =	ssettm $0x7FFFFFFF  }
0xcd: {  	_ =	shalt  }
tec
execute0_lowered:
.L_overlay_start_1:
0x0: {  	(tag) =	ssettag $0x1  }
0x1: {  	s5 =	rddreg [dreg:$0x0]  }
0x2: {  	s2 =	rddreg [dreg:$0x1]  }
0x3: {  	s1 =	srdreg.scid;
	s0 =	stileid.u32  }
0x4: {  	s3 =	rddreg [dreg:$0x2];
	s31 =	sand.u32 $0x1, s1;
	s6 =	sshll.u32 s0, $0x1  }
0x5: {  	s16 =	rddreg [dreg:$0x3];
	s4 =	simm.s32 $0x0;
	s17 =	sor.u32 s31, s6  }
0x6: {  	[smem:$0x7FF] =	sst s4;
	s6 =	sshll.u32 s17, $0x6  }
0x7: {  	_ =	strace $0x80000047;
	s5 =	sadd.s32 s5, s6;
	s6 =	simm.s32 $0x7  }
0x8: {  	[tilespmem:s4], [sflag:$0x7] =	stream.linear.gather [hbm4b:s5+s4], $0x200, $0x38;
	[tilespmem:$0x18200] =	vst v63  }
0x9: {  	_ =	swait.ge [sflag:s6], $0x200  }
0xa: {  	[sflag:s6] =	ssyncset.done $0x0  }
0xb: {  	s7 =	simm.s32 $0x80;
	s8 =	simm.s32 $0x200;
	[sflag:s6] =	ssyncadd.s32 $0xFFFFFE00  }
0xc: {  	[tilespmem:s8], [sflag:$0x1] =	stream.indirect.gather [hbm4b:s2+s7], $0x80, s4, s7, $0xb8;
	[tilespmem:$0x18200] =	vst v63  }
0xd: {  	s9 =	simm.s32 $0xC200  }
0xe: {  	[tilespmem:s9], [sflag:$0x1] =	stream.indirect.gather [hbm4b:s3+s7], $0x80, s4, s7, $0xb8;
	[tilespmem:$0x18200] =	vst v63  }
0xf: {  	s10 =	simm.s32 $0x4200  }
0x10: {  	[tilespmem:s10], [sflag:$0x2] =	stream.indirect.gather [hbm4b:s2+s7], $0x80, s7, s7, $0xb8;
	[tilespmem:$0x18200] =	vst v63  }
0x11: {  	s11 =	simm.s32 $0x10200  }
0x12: {  	[tilespmem:s11], [sflag:$0x2] =	stream.indirect.gather [hbm4b:s3+s7], $0x80, s7, s7, $0xb8;
	[tilespmem:$0x18200] =	vst v63  }
0x13: {  	s12 =	simm.s32 $0x100;
	s13 =	simm.s32 $0x8200  }
0x14: {  	[tilespmem:s13], [sflag:$0x3] =	stream.indirect.gather [hbm4b:s2+s7], $0x80, s12, s7, $0xb8;
	[tilespmem:$0x18200] =	vst v63  }
0x15: {  	s14 =	simm.s32 $0x14200;
	s15 =	simm.s32 $0x1  }
0x16: {  	[tilespmem:s14], [sflag:$0x3] =	stream.indirect.gather [hbm4b:s3+s7], $0x80, s12, s7, $0xb8;
	[tilespmem:$0x18200] =	vst v63  }
0x17: {  	_ =	swait.ge [sflag:s15], $0x4000  }
0x18: {  	[sflag:s15] =	ssyncset.done $0x0  }
0x19: {  	[sflag:s15] =	ssyncadd.s32 $0xFFFFC000  }
0x1a: {  	_ =	swait.ge [sflag:s15], $0x4000  }
0x1b: {  	s17 =	sshll.u32 s17, $0xE;
	[sflag:s15] =	ssyncset.done $0x0  }
0x1c: {  	s16 =	sadd.s32 s16, s17;
	[sflag:s15] =	ssyncadd.s32 $0xFFFFC000  }
0x1d: {  	[hbm4b:s16+s7] =	stream.strided.scatter [tilespmem:s8], [sflag:$0x4], $0x4000, s12, s7, $0x38;
	[tilespmem:$0x18200] =	vst v63  }
0x1e: {  	s17 =	simm.s32 $0x4;
	s18 =	sadd.s32 $0x10, s16  }
0x1f: {  	[hbm4b:s18+s7] =	stream.strided.scatter [tilespmem:s9], [sflag:$0x4], $0x4000, s12, s7, $0x38;
	[tilespmem:$0x18200] =	vst v63  }
0x20: {  	_ =	swait.ge [sflag:s17], $0x4000  }
0x21: {  	[sflag:s17] =	ssyncset.done $0x0  }
0x22: {  	[sflag:s17] =	ssyncadd.s32 $0xFFFFC000  }
0x23: {  	_ =	swait.ge [sflag:s17], $0x4000  }
0x24: {  	[sflag:s17] =	ssyncset.done $0x0  }
0x25: {  	s19 =	simm.s32 $0x180;
	[sflag:s17] =	ssyncadd.s32 $0xFFFFC000  }
0x26: {  	[tilespmem:s8], [sflag:$0x1] =	stream.indirect.gather [hbm4b:s2+s7], $0x80, s19, s7, $0xb8;
	[tilespmem:$0x18200] =	vst v63  }
0x27: {  	s20 =	simm.s32 $0x2  }
0x28: {  	[tilespmem:s9], [sflag:$0x1] =	stream.indirect.gather [hbm4b:s3+s7], $0x80, s19, s7, $0xb8;
	[tilespmem:$0x18200] =	vst v63  }
0x29: {  	_ =	swait.ge [sflag:s20], $0x4000  }
0x2a: {  	[sflag:s20] =	ssyncset.done $0x0  }
0x2b: {  	[sflag:s20] =	ssyncadd.s32 $0xFFFFC000  }
0x2c: {  	_ =	swait.ge [sflag:s20], $0x4000  }
0x2d: {  	[sflag:s20] =	ssyncset.done $0x0  }
0x2e: {  	s21 =	sadd.s32 $0x1000, s16;
	[sflag:s20] =	ssyncadd.s32 $0xFFFFC000  }
0x2f: {  	[hbm4b:s21+s7] =	stream.strided.scatter [tilespmem:s10], [sflag:$0x5], $0x4000, s12, s7, $0x38;
	[tilespmem:$0x18200] =	vst v63  }
0x30: {  	s23 =	simm.s32 $0x3;
	s22 =	sadd.s32 $0x1010, s16  }
0x31: {  	[hbm4b:s22+s7] =	stream.strided.scatter [tilespmem:s11], [sflag:$0x5], $0x4000, s12, s7, $0x38;
	[tilespmem:$0x18200] =	vst v63  }
0x32: {  	_ =	swait.ge [sflag:s23], $0x4000  }
0x33: {  	[sflag:s23] =	ssyncset.done $0x0  }
0x34: {  	[sflag:s23] =	ssyncadd.s32 $0xFFFFC000  }
0x35: {  	_ =	swait.ge [sflag:s23], $0x4000  }
0x36: {  	[sflag:s23] =	ssyncset.done $0x0  }
0x37: {  	s24 =	sadd.s32 $0x2000, s16;
	[sflag:s23] =	ssyncadd.s32 $0xFFFFC000  }
0x38: {  	[hbm4b:s24+s7] =	stream.strided.scatter [tilespmem:s13], [sflag:$0x6], $0x4000, s12, s7, $0x38;
	[tilespmem:$0x18200] =	vst v63  }
0x39: {  	s25 =	sadd.s32 $0x2010, s16  }
0x3a: {  	[hbm4b:s25+s7] =	stream.strided.scatter [tilespmem:s14], [sflag:$0x6], $0x4000, s12, s7, $0x38;
	[tilespmem:$0x18200] =	vst v63  }
0x3b: {  	_ =	swait.ge [sflag:s15], $0x4000  }
0x3c: {  	[sflag:s15] =	ssyncset.done $0x0  }
0x3d: {  	[sflag:s15] =	ssyncadd.s32 $0xFFFFC000  }
0x3e: {  	_ =	swait.ge [sflag:s15], $0x4000  }
0x3f: {  	[sflag:s15] =	ssyncset.done $0x0  }
0x40: {  	s26 =	sadd.s32 $0x3000, s16;
	[sflag:s15] =	ssyncadd.s32 $0xFFFFC000  }
0x41: {  	[hbm4b:s26+s7] =	stream.strided.scatter [tilespmem:s8], [sflag:$0x4], $0x4000, s12, s7, $0x38;
	[tilespmem:$0x18200] =	vst v63  }
0x42: {  	s29 =	simm.s32 $0x5;
	s28 =	sadd.s32 $0x3010, s16  }
0x43: {  	[hbm4b:s28+s7] =	stream.strided.scatter [tilespmem:s9], [sflag:$0x4], $0x4000, s12, s7, $0x38;
	[tilespmem:$0x18200] =	vst v63  }
0x44: {  	_ =	swait.ge [sflag:s29], $0x4000  }
0x45: {  	[sflag:s29] =	ssyncset.done $0x0  }
0x46: {  	[sflag:s29] =	ssyncadd.s32 $0xFFFFC000  }
0x47: {  	_ =	swait.ge [sflag:s29], $0x4000  }
0x48: {  	[sflag:s29] =	ssyncset.done $0x0  }
0x49: {  	s30 =	simm.s32 $0x6;
	[sflag:s29] =	ssyncadd.s32 $0xFFFFC000  }
0x4a: {  	_ =	swait.ge [sflag:s30], $0x4000  }
0x4b: {  	s31 =	ssub.s32 $0x2, s31;
	[sflag:s30] =	ssyncset.done $0x0  }
0x4c: {  	s1 =	sshrl.u32 s31, $0x1;
	[sflag:s30] =	ssyncadd.s32 $0xFFFFC000  }
0x4d: {  	s1 =	ssub.s32 s31, s1;
	_ =	swait.ge [sflag:s30], $0x4000  }
0x4e: {  	s1 =	smax.u32 s1, $0x1;
	[sflag:s30] =	ssyncset.done $0x0  }
0x4f: {  	p0 =	sne.s32 s1, $0x1;
	[sflag:s30] =	ssyncadd.s32 $0xFFFFC000  }
.Ltmp0:
0x50: {  	_ =	swait.ge [sflag:s17], $0x4000;
	(pc) =	sbr.rel @!p0 .LBB2_2-.Ltmp0, $4  }
0x51: {  	[sflag:s17] =	ssyncset.done $0x0  }
0x52: {  	[sflag:s17] =	ssyncadd.s32 $0xFFFFC000  }
0x53: {  	_ =	swait.ge [sflag:s17], $0x4000  }
0x54: {  	s31 =	sadd.s32 $0xFFFFFFFF, s1;
	[sflag:s17] =	ssyncset.done $0x0  }
.LBB2_1:
0x55: {  	p0 =	sne.s32 s31, $0x1;
	s31 =	sadd.s32 $0xFFFFFFFF, s31;
	[sflag:s17] =	ssyncadd.s32 $0xFFFFC000  }
0x56: {  	[tilespmem:s4], [sflag:$0x7] =	stream.linear.gather [hbm4b:s5+s4], $0x200, $0x38;
	[tilespmem:$0x18200] =	vst v63  }
0x57: {  	_ =	swait.ge [sflag:s6], $0x200  }
0x58: {  	[sflag:s6] =	ssyncset.done $0x0  }
0x59: {  	[sflag:s6] =	ssyncadd.s32 $0xFFFFFE00  }
0x5a: {  	[tilespmem:s8], [sflag:$0x1] =	stream.indirect.gather [hbm4b:s2+s7], $0x80, s4, s7, $0xb8;
	[tilespmem:$0x18200] =	vst v63  }
0x5b: {  	_ = 	snop  }
0x5c: {  	[tilespmem:s9], [sflag:$0x1] =	stream.indirect.gather [hbm4b:s3+s7], $0x80, s4, s7, $0xb8;
	[tilespmem:$0x18200] =	vst v63  }
0x5d: {  	_ = 	snop  }
0x5e: {  	[tilespmem:s10], [sflag:$0x2] =	stream.indirect.gather [hbm4b:s2+s7], $0x80, s7, s7, $0xb8;
	[tilespmem:$0x18200] =	vst v63  }
0x5f: {  	_ = 	snop  }
0x60: {  	[tilespmem:s11], [sflag:$0x2] =	stream.indirect.gather [hbm4b:s3+s7], $0x80, s7, s7, $0xb8;
	[tilespmem:$0x18200] =	vst v63  }
0x61: {  	_ = 	snop  }
0x62: {  	[tilespmem:s13], [sflag:$0x3] =	stream.indirect.gather [hbm4b:s2+s7], $0x80, s12, s7, $0xb8;
	[tilespmem:$0x18200] =	vst v63  }
0x63: {  	_ = 	snop  }
0x64: {  	[tilespmem:s14], [sflag:$0x3] =	stream.indirect.gather [hbm4b:s3+s7], $0x80, s12, s7, $0xb8;
	[tilespmem:$0x18200] =	vst v63  }
0x65: {  	_ =	swait.ge [sflag:s15], $0x4000  }
0x66: {  	[sflag:s15] =	ssyncset.done $0x0  }
0x67: {  	[sflag:s15] =	ssyncadd.s32 $0xFFFFC000  }
0x68: {  	_ =	swait.ge [sflag:s15], $0x4000  }
0x69: {  	[sflag:s15] =	ssyncset.done $0x0  }
0x6a: {  	[sflag:s15] =	ssyncadd.s32 $0xFFFFC000  }
0x6b: {  	[hbm4b:s16+s7] =	stream.strided.scatter [tilespmem:s8], [sflag:$0x4], $0x4000, s12, s7, $0x38;
	[tilespmem:$0x18200] =	vst v63  }
0x6c: {  	_ = 	snop  }
0x6d: {  	[hbm4b:s18+s7] =	stream.strided.scatter [tilespmem:s9], [sflag:$0x4], $0x4000, s12, s7, $0x38;
	[tilespmem:$0x18200] =	vst v63  }
0x6e: {  	_ =	swait.ge [sflag:s17], $0x4000  }
0x6f: {  	[sflag:s17] =	ssyncset.done $0x0  }
0x70: {  	[sflag:s17] =	ssyncadd.s32 $0xFFFFC000  }
0x71: {  	_ =	swait.ge [sflag:s17], $0x4000  }
0x72: {  	[sflag:s17] =	ssyncset.done $0x0  }
0x73: {  	[sflag:s17] =	ssyncadd.s32 $0xFFFFC000  }
0x74: {  	[tilespmem:s8], [sflag:$0x1] =	stream.indirect.gather [hbm4b:s2+s7], $0x80, s19, s7, $0xb8;
	[tilespmem:$0x18200] =	vst v63  }
0x75: {  	_ = 	snop  }
0x76: {  	[tilespmem:s9], [sflag:$0x1] =	stream.indirect.gather [hbm4b:s3+s7], $0x80, s19, s7, $0xb8;
	[tilespmem:$0x18200] =	vst v63  }
0x77: {  	_ =	swait.ge [sflag:s20], $0x4000  }
0x78: {  	[sflag:s20] =	ssyncset.done $0x0  }
0x79: {  	[sflag:s20] =	ssyncadd.s32 $0xFFFFC000  }
0x7a: {  	_ =	swait.ge [sflag:s20], $0x4000  }
0x7b: {  	[sflag:s20] =	ssyncset.done $0x0  }
0x7c: {  	[sflag:s20] =	ssyncadd.s32 $0xFFFFC000  }
0x7d: {  	[hbm4b:s21+s7] =	stream.strided.scatter [tilespmem:s10], [sflag:$0x5], $0x4000, s12, s7, $0x38;
	[tilespmem:$0x18200] =	vst v63  }
0x7e: {  	_ = 	snop  }
0x7f: {  	[hbm4b:s22+s7] =	stream.strided.scatter [tilespmem:s11], [sflag:$0x5], $0x4000, s12, s7, $0x38;
	[tilespmem:$0x18200] =	vst v63  }
0x80: {  	_ =	swait.ge [sflag:s23], $0x4000  }
0x81: {  	[sflag:s23] =	ssyncset.done $0x0  }
0x82: {  	[sflag:s23] =	ssyncadd.s32 $0xFFFFC000  }
0x83: {  	_ =	swait.ge [sflag:s23], $0x4000  }
0x84: {  	[sflag:s23] =	ssyncset.done $0x0  }
0x85: {  	[sflag:s23] =	ssyncadd.s32 $0xFFFFC000  }
0x86: {  	[hbm4b:s24+s7] =	stream.strided.scatter [tilespmem:s13], [sflag:$0x6], $0x4000, s12, s7, $0x38;
	[tilespmem:$0x18200] =	vst v63  }
0x87: {  	_ = 	snop  }
0x88: {  	[hbm4b:s25+s7] =	stream.strided.scatter [tilespmem:s14], [sflag:$0x6], $0x4000, s12, s7, $0x38;
	[tilespmem:$0x18200] =	vst v63  }
0x89: {  	_ =	swait.ge [sflag:s15], $0x4000  }
0x8a: {  	[sflag:s15] =	ssyncset.done $0x0  }
0x8b: {  	[sflag:s15] =	ssyncadd.s32 $0xFFFFC000  }
0x8c: {  	_ =	swait.ge [sflag:s15], $0x4000  }
0x8d: {  	[sflag:s15] =	ssyncset.done $0x0  }
0x8e: {  	[sflag:s15] =	ssyncadd.s32 $0xFFFFC000  }
0x8f: {  	[hbm4b:s26+s7] =	stream.strided.scatter [tilespmem:s8], [sflag:$0x4], $0x4000, s12, s7, $0x38;
	[tilespmem:$0x18200] =	vst v63  }
0x90: {  	_ = 	snop  }
0x91: {  	[hbm4b:s28+s7] =	stream.strided.scatter [tilespmem:s9], [sflag:$0x4], $0x4000, s12, s7, $0x38;
	[tilespmem:$0x18200] =	vst v63  }
0x92: {  	_ =	swait.ge [sflag:s29], $0x4000  }
0x93: {  	[sflag:s29] =	ssyncset.done $0x0  }
0x94: {  	[sflag:s29] =	ssyncadd.s32 $0xFFFFC000  }
0x95: {  	_ =	swait.ge [sflag:s29], $0x4000  }
0x96: {  	[sflag:s29] =	ssyncset.done $0x0  }
0x97: {  	[sflag:s29] =	ssyncadd.s32 $0xFFFFC000  }
0x98: {  	_ =	swait.ge [sflag:s30], $0x4000  }
0x99: {  	[sflag:s30] =	ssyncset.done $0x0  }
0x9a: {  	[sflag:s30] =	ssyncadd.s32 $0xFFFFC000  }
0x9b: {  	_ =	swait.ge [sflag:s30], $0x4000  }
0x9c: {  	[sflag:s30] =	ssyncset.done $0x0  }
0x9d: {  	[sflag:s30] =	ssyncadd.s32 $0xFFFFC000  }
.Ltmp1:
0x9e: {  	_ =	swait.ge [sflag:s17], $0x4000;
	(pc) =	sbr.rel @p0 .LBB2_1-.Ltmp1, $4  }
0x9f: {  	[sflag:s17] =	ssyncset.done $0x0  }
0xa0: {  	[sflag:s17] =	ssyncadd.s32 $0xFFFFC000  }
0xa1: {  	_ =	swait.ge [sflag:s17], $0x4000  }
0xa2: {  	[sflag:s17] =	ssyncset.done $0x0  }
.LBB2_2:
0xa3: {  	[sflag:s17] =	ssyncadd.s32 $0xFFFFC000  }
0xa4: {  	_ =	sfence.sel $0x180000  }
0xa5: {  	[bflag:$0x0] =	sbarrier.arrive $0xFFFF  }
0xa6: {  	_ =	strace $0x90000047  }
0xa7: {  	[bflag:$0x2] =	sbarrier.arrive $0xFFFF  }
0xa8: {  	p0 =	sne.s32 s0, $0x0;
	s0 =	rddreg [dreg:$0x4]  }
0xa9: {  	s0 =	sadd.s32 @!p0 $0x100000, s0  }
0xaa: {  	[sflag:s0] =	ssyncadd.tile.s32 @!p0 $0x1;
	_ =	shalt  }
.Lfunc_end2:
_tile_overlayer_lowered:
.L_overlay_start_2:
0xab: {  	(tag) =	ssettag $0x2  }
0xac: {  	s0 =	rddreg [dreg:$0x0];
	s2 =	stileid.u32  }
0xad: {  	s1 =	rddreg [dreg:$0x1];
	p0 =	sne.s32 s2, $0x0  }
0xae: {  	s3 =	rddreg [dreg:$0x2];
	[bflag:$0x3] =	sbarrier.arrive $0xFFFF;
	s2 =	simm.s32 @!p0 $0x1C07  }
0xaf: {  	[timem:s3], [sflag:s2] =	dma.local @!p0 [hbm:s0], s1  }
0xb0: {  	s0 =	simm.s32 @!p0 $0x7  }
0xb1: {  	_ =	swait.ge @!p0 [sflag:s0], s1  }
0xb2: {  	s1 =	ssub.s32 @!p0 $0x0, s1;
	[sflag:s0] =	ssyncset.done @!p0 $0x0  }
0xb3: {  	[sflag:s0] =	ssyncadd.s32 @!p0 s1  }
0xb4: {  	[bflag:$0x3] =	sbarrier.arrive $0xFFFF  }
0xb5: {  	_ =	shalt  }

</sc_bundles>
